<compile_context>
chip_gen: v7x
topology: tpu7x:2x2x1
jax: 0.10.2.dev20260603
libtpu: 0.0.44.dev20260713+nightly
codegen_flags: <defaults>
</compile_context>

<pallas_src>
import jax
import jax.numpy as jnp
from jax import lax
from jax.experimental import pallas as pl
from jax.experimental.pallas import tpu as pltpu
from jax.experimental.pallas import tpu_sc as plsc
import functools

NUM_CLASSES = 81
THRESHOLD = 0.5
NEGPOS_RATIO = 3
VAR0 = 0.1
VAR1 = 0.2

B = 16
P = 16384
G = 64
CHUNK = 2048
NCHUNK = P // CHUNK
RB = 2048
NRB = (B * P) // RB


def _eye4():
    return (lax.broadcasted_iota(jnp.int32, (4, 4), 0) ==
            lax.broadcasted_iota(jnp.int32, (4, 4), 1)).astype(jnp.float32)


def _t4(x):
    return lax.dot_general(_eye4(), x, (((1,), (1,)), ((), ())),
                           preferred_element_type=jnp.float32)


def _match_body(truths_ref, valid_ref, priors_ref, loc_ref,
                pos_ref, lossl_ref, npos_ref, bto_s, bti_s, prs, pfs):
    @pl.when(pl.program_id(0) == 0)
    def _prep():
        def prep_c(c, _):
            pr = _t4(priors_ref[pl.ds(c * CHUNK, CHUNK), :])
            prs[:, pl.ds(c * CHUNK, CHUNK)] = pr
            pcx = pr[0:1]; pcy = pr[1:2]; pw = pr[2:3]; ph = pr[3:4]
            px1 = pcx - pw * 0.5; py1 = pcy - ph * 0.5
            px2 = pcx + pw * 0.5; py2 = pcy + ph * 0.5
            area_p = (px2 - px1) * (py2 - py1)
            pf = jnp.concatenate([px1, py1, px2, py2, area_p], axis=0)
            pfs[:, pl.ds(c * CHUNK, CHUNK)] = pf
            return 0
        lax.fori_loop(0, NCHUNK, prep_c, 0)

    t = truths_ref[0]
    t4 = _t4(t)
    valid = valid_ref[0]
    validc = valid.reshape(G, 1) > 0.5
    tx1 = t[:, 0:1]; ty1 = t[:, 1:2]; tx2 = t[:, 2:3]; ty2 = t[:, 3:4]
    area_t = (tx2 - tx1) * (ty2 - ty1)
    jj = lax.broadcasted_iota(jnp.int32, (G, CHUNK), 0)

    def phase_a(c, carry):
        rm, ri = carry
        pr = _t4(priors_ref[pl.ds(c * CHUNK, CHUNK), :])
        pcx = pr[0:1]; pcy = pr[1:2]; pw = pr[2:3]; ph = pr[3:4]
        px1 = pcx - pw * 0.5; py1 = pcy - ph * 0.5
        px2 = pcx + pw * 0.5; py2 = pcy + ph * 0.5
        area_p = (px2 - px1) * (py2 - py1)
        iw = jnp.maximum(jnp.minimum(tx2, px2) - jnp.maximum(tx1, px1), 0.0)
        ih = jnp.maximum(jnp.minimum(ty2, py2) - jnp.maximum(ty1, py1), 0.0)
        inter = iw * ih
        iou = inter / (area_t + area_p - inter)
        ov = jnp.where(validc, iou, -1.0)
        m = jnp.max(ov, axis=0, keepdims=True)
        bti = jnp.min(jnp.where(ov == m, jj, G), axis=0, keepdims=True)
        bto_s[pl.ds(c, 1), :] = m
        bti_s[pl.ds(c, 1), :] = bti
        pm = jnp.max(ov, axis=1, keepdims=True)
        gidx = lax.broadcasted_iota(jnp.int32, (G, CHUNK), 1) + c * CHUNK
        pidx = jnp.min(jnp.where(ov == pm, gidx, P), axis=1, keepdims=True)
        better = pm > rm
        ri = jnp.where(better, pidx, ri)
        rm = jnp.maximum(rm, pm)
        return rm, ri

    rm0 = jnp.full((G, 1), -jnp.inf, dtype=jnp.float32)
    ri0 = jnp.full((G, 1), P, dtype=jnp.int32)
    _, bpi = lax.fori_loop(0, NCHUNK, phase_a, (rm0, ri0))

    def phase_b(c, carry):
        lacc, nacc = carry
        bto = bto_s[pl.ds(c, 1), :]
        bti = bti_s[pl.ds(c, 1), :]
        gidx = lax.broadcasted_iota(jnp.int32, (G, CHUNK), 1) + c * CHUNK
        matchm = (bpi == gidx) & validc
        fj = jnp.max(jnp.where(matchm, jj, -1), axis=0, keepdims=True)
        forced = fj >= 0
        btif = jnp.where(forced, fj, bti)
        btof = jnp.where(forced, 2.0, bto)
        pos = btof >= THRESHOLD
        posf = pos.astype(jnp.float32)
        oh = (btif == jj).astype(jnp.float32)
        matched = lax.dot_general(t4, oh, (((1,), (0,)), ((), ())),
                                  preferred_element_type=jnp.float32)
        mx1 = matched[0:1]; my1 = matched[1:2]
        mx2 = matched[2:3]; my2 = matched[3:4]
        pr = prs[:, pl.ds(c * CHUNK, CHUNK)]
        pcx = pr[0:1]; pcy = pr[1:2]; pw = pr[2:3]; ph = pr[3:4]
        gcx = ((mx1 + mx2) * 0.5 - pcx) / (VAR0 * pw)
        gcy = ((my1 + my2) * 0.5 - pcy) / (VAR0 * ph)
        gw = jnp.log(jnp.maximum(mx2 - mx1, 1e-30) / pw) / VAR1
        gh = jnp.log(jnp.maximum(my2 - my1, 1e-30) / ph) / VAR1
        ld = _t4(loc_ref[0, pl.ds(c * CHUNK, CHUNK), :])
        dsum = jnp.zeros((1, CHUNK), jnp.float32)
        for gcoord, row in ((gcx, 0), (gcy, 1), (gw, 2), (gh, 3)):
            d = ld[row:row + 1] - gcoord
            ad = jnp.abs(d)
            dsum = dsum + jnp.where(ad < 1.0, 0.5 * d * d, ad - 0.5)
        lacc = lacc + jnp.sum(dsum * posf)
        nacc = nacc + jnp.sum(posf)
        pos_ref[0, pl.ds(c, 1), :] = posf
        return lacc, nacc

    lossl, nposv = lax.fori_loop(0, NCHUNK, phase_b, (0.0, 0.0))
    lossl_ref[0, 0, :] = jnp.full((128,), lossl, jnp.float32)
    npos_ref[0, 0, :] = jnp.full((128,), nposv, jnp.float32)


def _conf_body(conf_ref, pos_ref, w0_ref, ce1_ref):
    x = conf_ref[0]
    rowmax = jnp.max(x, axis=1, keepdims=True)
    s = jnp.sum(jnp.exp(x - rowmax), axis=1, keepdims=True)
    lse = jnp.log(s) + rowmax
    cols = lse - x[:, 0:2]
    i2 = (lax.broadcasted_iota(jnp.int32, (2, 2), 0) ==
          lax.broadcasted_iota(jnp.int32, (2, 2), 1)).astype(jnp.float32)
    rows = lax.dot_general(i2, cols, (((1,), (1,)), ((), ())),
                           preferred_element_type=jnp.float32)
    c = pl.program_id(0) % NCHUNK
    posr = pos_ref[0, pl.ds(c, 1), :]
    w0_ref[0, pl.ds(c, 1), :] = jnp.where(posr > 0.5, 0.0, rows[0:1])
    ce1_ref[0, pl.ds(c, 1), :] = rows[1:2]


def _select_body(w0_ref, ce1_ref, pos_ref, lossl_ref, vb_ref, out_ref):
    posf = pos_ref[...]
    posb = posf > 0.5
    w = w0_ref[...]
    cepos = jnp.sum(jnp.where(posb, ce1_ref[...], 0.0))
    npos = jnp.sum(posf, axis=(1, 2), keepdims=True)
    k = jnp.minimum(NEGPOS_RATIO * npos, float(P - 1))
    vb = vb_ref[:, 0, 0:1].reshape(B, 1, 1)
    v = lax.bitcast_convert_type(vb, jnp.float32)
    gt = w > v
    cnt_gt = jnp.sum(gt.astype(jnp.float32), axis=(1, 2), keepdims=True)
    sum_gt = jnp.sum(jnp.where(gt, w, 0.0), axis=(1, 2), keepdims=True)
    neg = sum_gt + jnp.where(v > 0.0, (k - cnt_gt) * v, 0.0)
    n_total = jnp.maximum(jnp.sum(npos), 1.0)
    loss_l = jnp.sum(lossl_ref[:, 0, 0:1]) / n_total
    loss_c = (cepos + jnp.sum(neg)) / n_total
    out_ref[0, 0, :] = jnp.full((128,), loss_l, jnp.float32)
    out_ref[1, 0, :] = jnp.full((128,), loss_c, jnp.float32)


L = 16


def make_sc_select():
    mesh = plsc.VectorSubcoreMesh(core_axis_name="c", subcore_axis_name="s")

    @functools.partial(
        pl.kernel, mesh=mesh,
        out_type=jax.ShapeDtypeStruct((B, L), jnp.int32),
        scratch_types=[
            pltpu.VMEM((NCHUNK, CHUNK), jnp.int32),
            pltpu.VMEM((L,), jnp.float32),
            pltpu.VMEM((L,), jnp.int32),
        ],
    )
    def sc_select(wi_hbm, k_hbm, v_hbm, wiv, kv, ov):
        cid = lax.axis_index("c")
        sid = lax.axis_index("s")
        wid = sid * 2 + cid

        def butterfly_sum(x):
            for sh in (8, 4, 2, 1):
                idx = lax.broadcasted_iota(jnp.int32, (L,), 0) ^ sh
                x = x + jnp.take(x, idx, axis=0)
            return x

        @pl.when(wid < B)
        def _():
            img = wid
            pltpu.sync_copy(wi_hbm.at[img], wiv)
            pltpu.sync_copy(k_hbm.at[img], kv)
            kvec = kv[...].astype(jnp.int32)

            def search(_, carry):
                lo, hi = carry
                mid = lo + ((hi - lo + 1) >> 1)
                acc = jnp.zeros((L,), jnp.int32)
                for row in range(NCHUNK):
                    def cnt(i, a, row=row):
                        vb = wiv[row, pl.ds(i * L, L)]
                        return a + jnp.where(vb >= mid, 1, 0)
                    acc = lax.fori_loop(0, CHUNK // L, cnt, acc, unroll=8)
                pred = butterfly_sum(acc) >= kvec
                return (jnp.where(pred, mid, lo),
                        jnp.where(pred, hi, mid - 1))

            lo, _ = lax.fori_loop(
                0, 31, search,
                (jnp.zeros((L,), jnp.int32),
                 jnp.full((L,), 0x7F800000, jnp.int32)))
            ov[...] = lo
            pltpu.sync_copy(ov, v_hbm.at[img])

    return sc_select


_SC_CACHE = []


def _sc_select_fn():
    if not _SC_CACHE:
        _SC_CACHE.append(make_sc_select())
    return _SC_CACHE[0]


@jax.jit
def kernel(loc_data, conf_data, priors, gt_bboxes, gt_labels, gt_num,
           img_shape):
    del gt_labels
    hw = img_shape.astype(jnp.float32)
    scale = jnp.stack([hw[:, 1], hw[:, 0], hw[:, 1], hw[:, 0]], axis=1)
    truths = gt_bboxes / scale[:, None, :]
    valid = (jnp.arange(G)[None, :] < gt_num[:, None]).astype(jnp.float32)
    valid = valid.reshape(B, 1, G)

    pos, lossl, npos = pl.pallas_call(
        _match_body,
        grid=(B,),
        in_specs=[
            pl.BlockSpec((1, G, 4), lambda b: (b, 0, 0)),
            pl.BlockSpec((1, 1, G), lambda b: (b, 0, 0)),
            pl.BlockSpec((P, 4), lambda b: (0, 0)),
            pl.BlockSpec((1, P, 4), lambda b: (b, 0, 0)),
        ],
        out_specs=[
            pl.BlockSpec((1, NCHUNK, CHUNK), lambda b: (b, 0, 0)),
            pl.BlockSpec((1, 1, 128), lambda b: (b, 0, 0)),
            pl.BlockSpec((1, 1, 128), lambda b: (b, 0, 0)),
        ],
        out_shape=[
            jax.ShapeDtypeStruct((B, NCHUNK, CHUNK), jnp.float32),
            jax.ShapeDtypeStruct((B, 1, 128), jnp.float32),
            jax.ShapeDtypeStruct((B, 1, 128), jnp.float32),
        ],
        scratch_shapes=[
            pltpu.VMEM((NCHUNK, CHUNK), jnp.float32),
            pltpu.VMEM((NCHUNK, CHUNK), jnp.int32),
            pltpu.VMEM((4, P), jnp.float32),
            pltpu.VMEM((5, P), jnp.float32),
        ],
    )(truths, valid, priors, loc_data)


    w0, ce1 = pl.pallas_call(
        _conf_body,
        grid=(NRB,),
        in_specs=[
            pl.BlockSpec((1, RB, NUM_CLASSES),
                         lambda r: (r // NCHUNK, r % NCHUNK, 0)),
            pl.BlockSpec((1, NCHUNK, CHUNK), lambda r: (r // NCHUNK, 0, 0)),
        ],
        out_specs=[
            pl.BlockSpec((1, NCHUNK, CHUNK), lambda r: (r // NCHUNK, 0, 0)),
            pl.BlockSpec((1, NCHUNK, CHUNK), lambda r: (r // NCHUNK, 0, 0)),
        ],
        out_shape=[
            jax.ShapeDtypeStruct((B, NCHUNK, CHUNK), jnp.float32),
            jax.ShapeDtypeStruct((B, NCHUNK, CHUNK), jnp.float32),
        ],
    )(conf_data, pos)

    kf = jnp.minimum(NEGPOS_RATIO * npos[:, 0, 0], float(P - 1))
    krep = jnp.broadcast_to(kf[:, None], (B, L))
    vbits = _sc_select_fn()(lax.bitcast_convert_type(w0, jnp.int32), krep)

    shp = (B, NCHUNK, CHUNK)
    out = pl.pallas_call(
        _select_body,
        in_specs=[
            pl.BlockSpec(shp, lambda: (0, 0, 0)),
            pl.BlockSpec(shp, lambda: (0, 0, 0)),
            pl.BlockSpec(shp, lambda: (0, 0, 0)),
            pl.BlockSpec((B, 1, 128), lambda: (0, 0, 0)),
            pl.BlockSpec((B, 1, 16), lambda: (0, 0, 0)),
        ],
        out_specs=pl.BlockSpec((2, 1, 128), lambda: (0, 0, 0)),
        out_shape=jax.ShapeDtypeStruct((2, 1, 128), jnp.float32),
    )(w0, ce1, pos, lossl, vbits.reshape(B, 1, 16))

    return out[0, 0, 0], out[1, 0, 0]

# --- scband reference (transcript-rebuilt; emitter-appended) ---
"""Pipeline reference for scband-multi-box-loss-67508295959101 (READ-ONLY COPY).

The authoritative reference and input builder live on the scoring server;
editing this copy changes nothing except your own understanding.
"""

import jax, jax.numpy as jnp
import numpy as np

NUM_CLASSES = 81
THRESHOLD = 0.5
NEGPOS_RATIO = 3
VARIANCES = (0.1, 0.2)


def point_form(boxes):
    return jnp.concatenate([boxes[:, :2] - boxes[:, 2:] / 2.0,
                            boxes[:, :2] + boxes[:, 2:] / 2.0], axis=1)


def intersect(a, b):
    max_xy = jnp.minimum(a[:, None, 2:], b[None, :, 2:])
    min_xy = jnp.maximum(a[:, None, :2], b[None, :, :2])
    inter = jnp.maximum(max_xy - min_xy, 0.0)
    return inter[..., 0] * inter[..., 1]


def jaccard(a, b):
    inter = intersect(a, b)
    area_a = ((a[:, 2] - a[:, 0]) * (a[:, 3] - a[:, 1]))[:, None]
    area_b = ((b[:, 2] - b[:, 0]) * (b[:, 3] - b[:, 1]))[None, :]
    return inter / (area_a + area_b - inter)


def encode(matched, priors, variances):
    g_cxcy = (matched[:, :2] + matched[:, 2:]) / 2.0 - priors[:, :2]
    g_cxcy = g_cxcy / (variances[0] * priors[:, 2:])
    g_wh = (matched[:, 2:] - matched[:, :2]) / priors[:, 2:]
    g_wh = jnp.log(g_wh) / variances[1]
    return jnp.concatenate([g_cxcy, g_wh], axis=1)


def match(threshold, truths, priors, variances, labels, valid):
    overlaps = jaccard(truths, point_form(priors))
    overlaps = jnp.where(valid[:, None], overlaps, -1.0)
    best_prior_idx = jnp.argmax(overlaps, axis=1)
    best_truth_overlap = jnp.max(overlaps, axis=0)
    best_truth_idx = jnp.argmax(overlaps, axis=0)
    safe_prior_idx = jnp.where(valid, best_prior_idx, priors.shape[0])
    best_truth_overlap = best_truth_overlap.at[safe_prior_idx].set(2.0, mode='drop')
    best_truth_idx = best_truth_idx.at[safe_prior_idx].set(jnp.arange(truths.shape[0]), mode='drop')
    matches = truths[best_truth_idx]
    conf = labels[best_truth_idx]
    conf = jnp.where(best_truth_overlap < threshold, 0, conf)
    loc = encode(matches, priors, variances)
    return loc, conf


def setup_inputs(seed: int = 0):
    key = jax.random.key(seed)
    ks = jax.random.split(key, 8)
    B, P, C, G = 16, 16384, 81, 64
    loc_data = jax.random.normal(ks[0], (B, P, 4), dtype=jnp.float32)
    conf_data = jax.random.normal(ks[1], (B, P, C), dtype=jnp.float32)
    cxy = jax.random.uniform(ks[2], (P, 2), minval=0.05, maxval=0.95)
    wh = jax.random.uniform(ks[3], (P, 2), minval=0.05, maxval=0.3)
    priors = jnp.concatenate([cxy, wh], axis=1).astype(jnp.float32)
    xy1 = jax.random.uniform(ks[4], (B, G, 2), minval=0.0, maxval=0.7)
    bwh = jax.random.uniform(ks[5], (B, G, 2), minval=0.05, maxval=0.25)
    gt_bboxes = (jnp.concatenate([xy1, xy1 + bwh], axis=2) * 512.0).astype(jnp.float32)
    gt_labels = jax.random.randint(ks[6], (B, G), 0, C)
    gt_num = jnp.maximum(jax.random.randint(ks[7], (B,), 1, G + 1), 1)
    img_shape = jnp.full((B, 2), 512, dtype=jnp.int32)
    return {"loc_data": loc_data, "conf_data": conf_data, "priors": priors,
            "gt_bboxes": gt_bboxes, "gt_labels": gt_labels, "gt_num": gt_num,
            "img_shape": img_shape}


def _forward(loc_data, conf_data, priors, gt_bboxes, gt_labels, gt_num, img_shape):
    num, num_priors, C = conf_data.shape
    G = gt_bboxes.shape[1]
    pri = jax.lax.stop_gradient(priors)
    loc_t_list, conf_t_list = [], []
    for idx in range(num):
        hw = img_shape[idx].astype(jnp.float32)
        scale = jnp.stack([hw[1], hw[0], hw[1], hw[0]])
        valid = jnp.arange(G) < gt_num[idx]
        truths = jax.lax.stop_gradient(gt_bboxes[idx]) / scale
        labels = gt_labels[idx]
        labels = jnp.where(labels == 0, 1, labels)
        loc, conf = match(THRESHOLD, truths, pri, VARIANCES, labels, valid)
        loc_t_list.append(loc); conf_t_list.append(conf)
    loc_t = jnp.stack(loc_t_list)
    conf_t = jnp.stack(conf_t_list)
    pos = conf_t != 0
    conf_t = jnp.where(pos, 1, 0)
    # localization smooth-L1 over positives (masked-sum == boolean select + sum)
    diff = loc_data - loc_t
    ad = jnp.abs(diff)
    sl1 = jnp.where(ad < 1.0, 0.5 * diff * diff, ad - 0.5)
    loss_l = jnp.sum(jnp.where(pos[..., None], sl1, 0.0))
    # hard negative mining via double argsort ranking
    batch_conf = conf_data.reshape(-1, C)
    x_max = jax.lax.stop_gradient(jnp.max(batch_conf))
    lse = jnp.log(jnp.sum(jnp.exp(batch_conf - x_max), axis=1, keepdims=True)) + x_max
    gathered = jnp.take_along_axis(batch_conf, conf_t.reshape(-1, 1), axis=1)
    loss_c = lse - gathered
    loss_c = jnp.where(pos.reshape(-1, 1), 0.0, loss_c)
    loss_c = loss_c.reshape(num, -1)
    loss_idx = jnp.argsort(-loss_c, axis=1)
    idx_rank = jnp.argsort(loss_idx, axis=1)
    num_pos = jnp.sum(pos.astype(jnp.int32), axis=1, keepdims=True)
    num_neg = jnp.minimum(NEGPOS_RATIO * num_pos, num_priors - 1)
    neg = idx_rank < num_neg
    mask = pos | neg
    log_probs = jax.nn.log_softmax(conf_data, axis=-1)
    ce = -jnp.take_along_axis(log_probs, conf_t[..., None], axis=-1)[..., 0]
    loss_c_final = jnp.sum(jnp.where(mask, ce, 0.0))
    N = jnp.maximum(jnp.sum(num_pos).astype(jnp.float32), 1.0)
    return loss_l / N, loss_c_final / N


def reference(loc_data, conf_data, priors, gt_bboxes, gt_labels, gt_num, img_shape):
    return _forward(loc_data, conf_data, priors, gt_bboxes, gt_labels,
                    gt_num, img_shape)

if __name__ == "__main__":
    import jax
    _d = setup_inputs()
    print(jax.jit(kernel)(*tuple(_d.values())))

</pallas_src>

<mosaic_0001>
#map = affine_map<(d0, d1) -> (0, 0, 0)>
#map1 = affine_map<(d0, d1) -> (0, 0)>
module attributes {stable_mosaic.version = 14 : i64} {
  func.func @sc_select(%arg0: i32, %arg1: i32, %arg2: memref<16x8x2048xi32, #tpu.memory_space<hbm>>, %arg3: memref<16x16xf32, #tpu.memory_space<hbm>>, %arg4: memref<16x16xi32, #tpu.memory_space<hbm>>, %arg5: memref<8x2048xi32, #tpu.memory_space<vmem>>, %arg6: memref<16xf32, #tpu.memory_space<vmem>>, %arg7: memref<16xi32, #tpu.memory_space<vmem>>) attributes {dimension_semantics = [#tpu.dimension_semantics<core_parallel>, #tpu.dimension_semantics<subcore_parallel>], iteration_bounds = array<i64: 2, 16>, scalar_prefetch = 0 : i64, scratch_operands = 3 : i64, tpu.core_type = #tpu.core_type<sc_vector_subcore>, window_params = [{transform_indices = #map}, {transform_indices = #map1}, {transform_indices = #map1}]} {
    %mul3A = arith.constant 2 : i32
    %mul3A_0 = arith.muli %arg1, %mul3A : i32
    %add3A = arith.addi %mul3A_0, %arg0 : i32
    %lt3A = arith.constant 16 : i32
    %lt3A_1 = arith.cmpi slt, %add3A, %lt3A : i32
    %convert_element_type3A = arith.extui %lt3A_1 : i1 to i32
    %cond3A = arith.constant 0 : i32
    %cond3A_2 = arith.cmpi ne, %convert_element_type3A, %cond3A : i32
    scf.if %cond3A_2 {
      "tpu.region"() ({
        %run_scoped3A = tpu.sem_alloc : memref<!tpu.dma_semaphore, #tpu.memory_space<semaphore_mem>>
        %dma_start3A = arith.constant 0 : i32
        %dma_start3A_17 = arith.constant 0 : i32
        %dma_start3A_18 = tpu.memref_slice %arg2[%add3A, %dma_start3A, %dma_start3A_17] : memref<16x8x2048xi32, #tpu.memory_space<hbm>> -> memref<1x8x2048xi32, #tpu.memory_space<hbm>>
        %dma_start3A_19 = tpu.memref_squeeze %dma_start3A_18 : memref<1x8x2048xi32, #tpu.memory_space<hbm>> -> memref<8x2048xi32, #tpu.memory_space<hbm>>
        %dma_start3A_20 = arith.constant 0 : i32
        %dma_start3A_21 = arith.constant 0 : i32
        %dma_start3A_22 = tpu.memref_slice %arg2[%add3A, %dma_start3A_20, %dma_start3A_21] : memref<16x8x2048xi32, #tpu.memory_space<hbm>> -> memref<1x8x2048xi32, #tpu.memory_space<hbm>>
        %dma_start3A_23 = tpu.memref_squeeze %dma_start3A_22 : memref<1x8x2048xi32, #tpu.memory_space<hbm>> -> memref<8x2048xi32, #tpu.memory_space<hbm>>
        tpu.enqueue_dma source(%dma_start3A_23 : memref<8x2048xi32, #tpu.memory_space<hbm>>) target(%arg5 : memref<8x2048xi32, #tpu.memory_space<vmem>>) target_semaphore(%run_scoped3A : memref<!tpu.dma_semaphore, #tpu.memory_space<semaphore_mem>>)
        %dma_wait3A = arith.constant 0 : i32
        %dma_wait3A_24 = arith.constant 0 : i32
        %dma_wait3A_25 = tpu.memref_slice %arg2[%add3A, %dma_wait3A, %dma_wait3A_24] : memref<16x8x2048xi32, #tpu.memory_space<hbm>> -> memref<1x8x2048xi32, #tpu.memory_space<hbm>>
        %dma_wait3A_26 = tpu.memref_squeeze %dma_wait3A_25 : memref<1x8x2048xi32, #tpu.memory_space<hbm>> -> memref<8x2048xi32, #tpu.memory_space<hbm>>
        %dma_wait3A_27 = arith.constant 0 : i32
        %dma_wait3A_28 = arith.constant 0 : i32
        %dma_wait3A_29 = tpu.memref_slice %arg2[%add3A, %dma_wait3A_27, %dma_wait3A_28] : memref<16x8x2048xi32, #tpu.memory_space<hbm>> -> memref<1x8x2048xi32, #tpu.memory_space<hbm>>
        %dma_wait3A_30 = tpu.memref_squeeze %dma_wait3A_29 : memref<1x8x2048xi32, #tpu.memory_space<hbm>> -> memref<8x2048xi32, #tpu.memory_space<hbm>>
        tpu.wait_dma2 semaphore(%run_scoped3A : memref<!tpu.dma_semaphore, #tpu.memory_space<semaphore_mem>>) src(%dma_wait3A_30 : memref<8x2048xi32, #tpu.memory_space<hbm>>) dst(%arg5 : memref<8x2048xi32, #tpu.memory_space<vmem>>)
        tpu.yield
      }) : () -> ()
      "tpu.region"() ({
        %run_scoped3A = tpu.sem_alloc : memref<!tpu.dma_semaphore, #tpu.memory_space<semaphore_mem>>
        %dma_start3A = arith.constant 0 : i32
        %dma_start3A_17 = tpu.memref_slice %arg3[%add3A, %dma_start3A] : memref<16x16xf32, #tpu.memory_space<hbm>> -> memref<1x16xf32, #tpu.memory_space<hbm>>
        %dma_start3A_18 = tpu.memref_squeeze %dma_start3A_17 : memref<1x16xf32, #tpu.memory_space<hbm>> -> memref<16xf32, #tpu.memory_space<hbm>>
        %dma_start3A_19 = arith.constant 0 : i32
        %dma_start3A_20 = tpu.memref_slice %arg3[%add3A, %dma_start3A_19] : memref<16x16xf32, #tpu.memory_space<hbm>> -> memref<1x16xf32, #tpu.memory_space<hbm>>
        %dma_start3A_21 = tpu.memref_squeeze %dma_start3A_20 : memref<1x16xf32, #tpu.memory_space<hbm>> -> memref<16xf32, #tpu.memory_space<hbm>>
        tpu.enqueue_dma source(%dma_start3A_21 : memref<16xf32, #tpu.memory_space<hbm>>) target(%arg6 : memref<16xf32, #tpu.memory_space<vmem>>) target_semaphore(%run_scoped3A : memref<!tpu.dma_semaphore, #tpu.memory_space<semaphore_mem>>)
        %dma_wait3A = arith.constant 0 : i32
        %dma_wait3A_22 = tpu.memref_slice %arg3[%add3A, %dma_wait3A] : memref<16x16xf32, #tpu.memory_space<hbm>> -> memref<1x16xf32, #tpu.memory_space<hbm>>
        %dma_wait3A_23 = tpu.memref_squeeze %dma_wait3A_22 : memref<1x16xf32, #tpu.memory_space<hbm>> -> memref<16xf32, #tpu.memory_space<hbm>>
        %dma_wait3A_24 = arith.constant 0 : i32
        %dma_wait3A_25 = tpu.memref_slice %arg3[%add3A, %dma_wait3A_24] : memref<16x16xf32, #tpu.memory_space<hbm>> -> memref<1x16xf32, #tpu.memory_space<hbm>>
        %dma_wait3A_26 = tpu.memref_squeeze %dma_wait3A_25 : memref<1x16xf32, #tpu.memory_space<hbm>> -> memref<16xf32, #tpu.memory_space<hbm>>
        tpu.wait_dma2 semaphore(%run_scoped3A : memref<!tpu.dma_semaphore, #tpu.memory_space<semaphore_mem>>) src(%dma_wait3A_26 : memref<16xf32, #tpu.memory_space<hbm>>) dst(%arg6 : memref<16xf32, #tpu.memory_space<vmem>>)
        tpu.yield
      }) : () -> ()
      %get3A = arith.constant 0 : index
      %get3A_3 = tpu.vector_load %arg6[%get3A] {strides = array<i32>} : memref<16xf32, #tpu.memory_space<vmem>>, vector<16xf32>,
      %get3A_4 = vector.shape_cast %get3A_3 : vector<16xf32> to vector<16xf32>
      %convert_element_type3A_5 = arith.fptosi %get3A_4 : vector<16xf32> to vector<16xi32>
      %broadcast_in_dim3A = arith.constant 0 : i32
      %broadcast_in_dim3A_6 = vector.broadcast %broadcast_in_dim3A : i32 to vector<16xi32>
      %broadcast_in_dim3A_7 = arith.constant 2139095040 : i32
      %broadcast_in_dim3A_8 = vector.broadcast %broadcast_in_dim3A_7 : i32 to vector<16xi32>
      %scan3A = arith.constant 0 : i32
      %scan3A_9 = arith.constant 31 : i32
      %scan3A_10 = arith.addi %scan3A, %scan3A_9 : i32
      %scan3A_11 = arith.constant 1 : i32
      %scan3A_12:2 = scf.for %scan3A_17 = %scan3A to %scan3A_10 step %scan3A_11 iter_args(%scan3A_18 = %broadcast_in_dim3A_6, %scan3A_19 = %broadcast_in_dim3A_8) -> (vector<16xi32>, vector<16xi32>)  : i32 {
        %sub3A = arith.subi %scan3A_19, %scan3A_18 : vector<16xi32>
        %add3A_20 = arith.constant 1 : i32
        %add3A_21 = vector.broadcast %add3A_20 : i32 to vector<16xi32>
        %add3A_22 = arith.addi %sub3A, %add3A_21 : vector<16xi32>
        %shift_right_arithmetic3A = arith.constant 1 : i32
        %shift_right_arithmetic3A_23 = vector.broadcast %shift_right_arithmetic3A : i32 to vector<16xi32>
        %shift_right_arithmetic3A_24 = arith.shrsi %add3A_22, %shift_right_arithmetic3A_23 : vector<16xi32>
        %add3A_25 = arith.addi %scan3A_18, %shift_right_arithmetic3A_24 : vector<16xi32>
        %broadcast_in_dim3A_26 = arith.constant 0 : i32
        %broadcast_in_dim3A_27 = vector.broadcast %broadcast_in_dim3A_26 : i32 to vector<16xi32>
        %scan3A_28 = arith.constant 0 : i32
        %scan3A_29 = arith.constant 128 : i32
        %scan3A_30 = arith.addi %scan3A_28, %scan3A_29 : i32
        %scan3A_31 = arith.constant 8 : i32
        %scan3A_32 = scf.for %scan3A_137 = %scan3A_28 to %scan3A_30 step %scan3A_31 iter_args(%scan3A_138 = %broadcast_in_dim3A_27) -> (vector<16xi32>)  : i32 {
          %mul3A_139 = arith.constant 16 : i32
          %mul3A_140 = arith.muli %scan3A_137, %mul3A_139 : i32
          %get3A_141 = arith.constant 0 : i32
          %get3A_142 = arith.index_cast %get3A_141 : i32 to index
          %get3A_143 = arith.index_cast %mul3A_140 : i32 to index
          %get3A_144 = tpu.vector_load %arg5[%get3A_142, %get3A_143] {strides = array<i32>} : memref<8x2048xi32, #tpu.memory_space<vmem>>, vector<1x16xi32>,
          %get3A_145 = vector.shape_cast %get3A_144 : vector<1x16xi32> to vector<16xi32>
          %ge3A_146 = arith.cmpi sge, %get3A_145, %add3A_25 : vector<16xi32>
          %jit3A = arith.constant 1 : i32
          %jit3A_147 = arith.constant 0 : i32
          %broadcast_in_dim3A_148 = vector.broadcast %jit3A : i32 to vector<16xi32>
          %broadcast_in_dim3A_149 = vector.broadcast %jit3A_147 : i32 to vector<16xi32>
          %select_n3A_150 = arith.select %ge3A_146, %broadcast_in_dim3A_148, %broadcast_in_dim3A_149 : vector<16xi1>, vector<16xi32>
          %add3A_151 = arith.addi %scan3A_138, %select_n3A_150 : vector<16xi32>
          %scan3A_152 = arith.constant 1 : i32
          %scan3A_153 = arith.addi %scan3A_137, %scan3A_152 : i32
          %mul3A_154 = arith.constant 16 : i32
          %mul3A_155 = arith.muli %scan3A_153, %mul3A_154 : i32
          %get3A_156 = arith.constant 0 : i32
          %get3A_157 = arith.index_cast %get3A_156 : i32 to index
          %get3A_158 = arith.index_cast %mul3A_155 : i32 to index
          %get3A_159 = tpu.vector_load %arg5[%get3A_157, %get3A_158] {strides = array<i32>} : memref<8x2048xi32, #tpu.memory_space<vmem>>, vector<1x16xi32>,
          %get3A_160 = vector.shape_cast %get3A_159 : vector<1x16xi32> to vector<16xi32>
          %ge3A_161 = arith.cmpi sge, %get3A_160, %add3A_25 : vector<16xi32>
          %jit3A_162 = arith.constant 1 : i32
          %jit3A_163 = arith.constant 0 : i32
          %broadcast_in_dim3A_164 = vector.broadcast %jit3A_162 : i32 to vector<16xi32>
          %broadcast_in_dim3A_165 = vector.broadcast %jit3A_163 : i32 to vector<16xi32>
          %select_n3A_166 = arith.select %ge3A_161, %broadcast_in_dim3A_164, %broadcast_in_dim3A_165 : vector<16xi1>, vector<16xi32>
          %add3A_167 = arith.addi %add3A_151, %select_n3A_166 : vector<16xi32>
          %scan3A_168 = arith.constant 2 : i32
          %scan3A_169 = arith.addi %scan3A_137, %scan3A_168 : i32
          %mul3A_170 = arith.constant 16 : i32
          %mul3A_171 = arith.muli %scan3A_169, %mul3A_170 : i32
          %get3A_172 = arith.constant 0 : i32
          %get3A_173 = arith.index_cast %get3A_172 : i32 to index
          %get3A_174 = arith.index_cast %mul3A_171 : i32 to index
          %get3A_175 = tpu.vector_load %arg5[%get3A_173, %get3A_174] {strides = array<i32>} : memref<8x2048xi32, #tpu.memory_space<vmem>>, vector<1x16xi32>,
          %get3A_176 = vector.shape_cast %get3A_175 : vector<1x16xi32> to vector<16xi32>
          %ge3A_177 = arith.cmpi sge, %get3A_176, %add3A_25 : vector<16xi32>
          %jit3A_178 = arith.constant 1 : i32
          %jit3A_179 = arith.constant 0 : i32
          %broadcast_in_dim3A_180 = vector.broadcast %jit3A_178 : i32 to vector<16xi32>
          %broadcast_in_dim3A_181 = vector.broadcast %jit3A_179 : i32 to vector<16xi32>
          %select_n3A_182 = arith.select %ge3A_177, %broadcast_in_dim3A_180, %broadcast_in_dim3A_181 : vector<16xi1>, vector<16xi32>
          %add3A_183 = arith.addi %add3A_167, %select_n3A_182 : vector<16xi32>
          %scan3A_184 = arith.constant 3 : i32
          %scan3A_185 = arith.addi %scan3A_137, %scan3A_184 : i32
          %mul3A_186 = arith.constant 16 : i32
          %mul3A_187 = arith.muli %scan3A_185, %mul3A_186 : i32
          %get3A_188 = arith.constant 0 : i32
          %get3A_189 = arith.index_cast %get3A_188 : i32 to index
          %get3A_190 = arith.index_cast %mul3A_187 : i32 to index
          %get3A_191 = tpu.vector_load %arg5[%get3A_189, %get3A_190] {strides = array<i32>} : memref<8x2048xi32, #tpu.memory_space<vmem>>, vector<1x16xi32>,
          %get3A_192 = vector.shape_cast %get3A_191 : vector<1x16xi32> to vector<16xi32>
          %ge3A_193 = arith.cmpi sge, %get3A_192, %add3A_25 : vector<16xi32>
          %jit3A_194 = arith.constant 1 : i32
          %jit3A_195 = arith.constant 0 : i32
          %broadcast_in_dim3A_196 = vector.broadcast %jit3A_194 : i32 to vector<16xi32>
          %broadcast_in_dim3A_197 = vector.broadcast %jit3A_195 : i32 to vector<16xi32>
          %select_n3A_198 = arith.select %ge3A_193, %broadcast_in_dim3A_196, %broadcast_in_dim3A_197 : vector<16xi1>, vector<16xi32>
          %add3A_199 = arith.addi %add3A_183, %select_n3A_198 : vector<16xi32>
          %scan3A_200 = arith.constant 4 : i32
          %scan3A_201 = arith.addi %scan3A_137, %scan3A_200 : i32
          %mul3A_202 = arith.constant 16 : i32
          %mul3A_203 = arith.muli %scan3A_201, %mul3A_202 : i32
          %get3A_204 = arith.constant 0 : i32
          %get3A_205 = arith.index_cast %get3A_204 : i32 to index
          %get3A_206 = arith.index_cast %mul3A_203 : i32 to index
          %get3A_207 = tpu.vector_load %arg5[%get3A_205, %get3A_206] {strides = array<i32>} : memref<8x2048xi32, #tpu.memory_space<vmem>>, vector<1x16xi32>,
          %get3A_208 = vector.shape_cast %get3A_207 : vector<1x16xi32> to vector<16xi32>
          %ge3A_209 = arith.cmpi sge, %get3A_208, %add3A_25 : vector<16xi32>
          %jit3A_210 = arith.constant 1 : i32
          %jit3A_211 = arith.constant 0 : i32
          %broadcast_in_dim3A_212 = vector.broadcast %jit3A_210 : i32 to vector<16xi32>
          %broadcast_in_dim3A_213 = vector.broadcast %jit3A_211 : i32 to vector<16xi32>
          %select_n3A_214 = arith.select %ge3A_209, %broadcast_in_dim3A_212, %broadcast_in_dim3A_213 : vector<16xi1>, vector<16xi32>
          %add3A_215 = arith.addi %add3A_199, %select_n3A_214 : vector<16xi32>
          %scan3A_216 = arith.constant 5 : i32
          %scan3A_217 = arith.addi %scan3A_137, %scan3A_216 : i32
          %mul3A_218 = arith.constant 16 : i32
          %mul3A_219 = arith.muli %scan3A_217, %mul3A_218 : i32
          %get3A_220 = arith.constant 0 : i32
          %get3A_221 = arith.index_cast %get3A_220 : i32 to index
          %get3A_222 = arith.index_cast %mul3A_219 : i32 to index
          %get3A_223 = tpu.vector_load %arg5[%get3A_221, %get3A_222] {strides = array<i32>} : memref<8x2048xi32, #tpu.memory_space<vmem>>, vector<1x16xi32>,
          %get3A_224 = vector.shape_cast %get3A_223 : vector<1x16xi32> to vector<16xi32>
          %ge3A_225 = arith.cmpi sge, %get3A_224, %add3A_25 : vector<16xi32>
          %jit3A_226 = arith.constant 1 : i32
          %jit3A_227 = arith.constant 0 : i32
          %broadcast_in_dim3A_228 = vector.broadcast %jit3A_226 : i32 to vector<16xi32>
          %broadcast_in_dim3A_229 = vector.broadcast %jit3A_227 : i32 to vector<16xi32>
          %select_n3A_230 = arith.select %ge3A_225, %broadcast_in_dim3A_228, %broadcast_in_dim3A_229 : vector<16xi1>, vector<16xi32>
          %add3A_231 = arith.addi %add3A_215, %select_n3A_230 : vector<16xi32>
          %scan3A_232 = arith.constant 6 : i32
          %scan3A_233 = arith.addi %scan3A_137, %scan3A_232 : i32
          %mul3A_234 = arith.constant 16 : i32
          %mul3A_235 = arith.muli %scan3A_233, %mul3A_234 : i32
          %get3A_236 = arith.constant 0 : i32
          %get3A_237 = arith.index_cast %get3A_236 : i32 to index
          %get3A_238 = arith.index_cast %mul3A_235 : i32 to index
          %get3A_239 = tpu.vector_load %arg5[%get3A_237, %get3A_238] {strides = array<i32>} : memref<8x2048xi32, #tpu.memory_space<vmem>>, vector<1x16xi32>,
          %get3A_240 = vector.shape_cast %get3A_239 : vector<1x16xi32> to vector<16xi32>
          %ge3A_241 = arith.cmpi sge, %get3A_240, %add3A_25 : vector<16xi32>
          %jit3A_242 = arith.constant 1 : i32
          %jit3A_243 = arith.constant 0 : i32
          %broadcast_in_dim3A_244 = vector.broadcast %jit3A_242 : i32 to vector<16xi32>
          %broadcast_in_dim3A_245 = vector.broadcast %jit3A_243 : i32 to vector<16xi32>
          %select_n3A_246 = arith.select %ge3A_241, %broadcast_in_dim3A_244, %broadcast_in_dim3A_245 : vector<16xi1>, vector<16xi32>
          %add3A_247 = arith.addi %add3A_231, %select_n3A_246 : vector<16xi32>
          %scan3A_248 = arith.constant 7 : i32
          %scan3A_249 = arith.addi %scan3A_137, %scan3A_248 : i32
          %mul3A_250 = arith.constant 16 : i32
          %mul3A_251 = arith.muli %scan3A_249, %mul3A_250 : i32
          %get3A_252 = arith.constant 0 : i32
          %get3A_253 = arith.index_cast %get3A_252 : i32 to index
          %get3A_254 = arith.index_cast %mul3A_251 : i32 to index
          %get3A_255 = tpu.vector_load %arg5[%get3A_253, %get3A_254] {strides = array<i32>} : memref<8x2048xi32, #tpu.memory_space<vmem>>, vector<1x16xi32>,
          %get3A_256 = vector.shape_cast %get3A_255 : vector<1x16xi32> to vector<16xi32>
          %ge3A_257 = arith.cmpi sge, %get3A_256, %add3A_25 : vector<16xi32>
          %jit3A_258 = arith.constant 1 : i32
          %jit3A_259 = arith.constant 0 : i32
          %broadcast_in_dim3A_260 = vector.broadcast %jit3A_258 : i32 to vector<16xi32>
          %broadcast_in_dim3A_261 = vector.broadcast %jit3A_259 : i32 to vector<16xi32>
          %select_n3A_262 = arith.select %ge3A_257, %broadcast_in_dim3A_260, %broadcast_in_dim3A_261 : vector<16xi1>, vector<16xi32>
          %add3A_263 = arith.addi %add3A_247, %select_n3A_262 : vector<16xi32>
          scf.yield %add3A_263 : vector<16xi32>
        }
        %scan3A_33 = arith.constant 128 : i32
        %scan3A_34 = arith.constant 0 : i32
        %scan3A_35 = arith.constant 128 : i32
        %scan3A_36 = arith.addi %scan3A_34, %scan3A_35 : i32
        %scan3A_37 = arith.constant 8 : i32
        %scan3A_38 = scf.for %scan3A_137 = %scan3A_34 to %scan3A_36 step %scan3A_37 iter_args(%scan3A_138 = %scan3A_32) -> (vector<16xi32>)  : i32 {
          %mul3A_139 = arith.constant 16 : i32
          %mul3A_140 = arith.muli %scan3A_137, %mul3A_139 : i32
          %get3A_141 = arith.constant 1 : i32
          %get3A_142 = arith.index_cast %get3A_141 : i32 to index
          %get3A_143 = arith.index_cast %mul3A_140 : i32 to index
          %get3A_144 = tpu.vector_load %arg5[%get3A_142, %get3A_143] {strides = array<i32>} : memref<8x2048xi32, #tpu.memory_space<vmem>>, vector<1x16xi32>,
          %get3A_145 = vector.shape_cast %get3A_144 : vector<1x16xi32> to vector<16xi32>
          %ge3A_146 = arith.cmpi sge, %get3A_145, %add3A_25 : vector<16xi32>
          %jit3A = arith.constant 1 : i32
          %jit3A_147 = arith.constant 0 : i32
          %broadcast_in_dim3A_148 = vector.broadcast %jit3A : i32 to vector<16xi32>
          %broadcast_in_dim3A_149 = vector.broadcast %jit3A_147 : i32 to vector<16xi32>
          %select_n3A_150 = arith.select %ge3A_146, %broadcast_in_dim3A_148, %broadcast_in_dim3A_149 : vector<16xi1>, vector<16xi32>
          %add3A_151 = arith.addi %scan3A_138, %select_n3A_150 : vector<16xi32>
          %scan3A_152 = arith.constant 1 : i32
          %scan3A_153 = arith.addi %scan3A_137, %scan3A_152 : i32
          %mul3A_154 = arith.constant 16 : i32
          %mul3A_155 = arith.muli %scan3A_153, %mul3A_154 : i32
          %get3A_156 = arith.constant 1 : i32
          %get3A_157 = arith.index_cast %get3A_156 : i32 to index
          %get3A_158 = arith.index_cast %mul3A_155 : i32 to index
          %get3A_159 = tpu.vector_load %arg5[%get3A_157, %get3A_158] {strides = array<i32>} : memref<8x2048xi32, #tpu.memory_space<vmem>>, vector<1x16xi32>,
          %get3A_160 = vector.shape_cast %get3A_159 : vector<1x16xi32> to vector<16xi32>
          %ge3A_161 = arith.cmpi sge, %get3A_160, %add3A_25 : vector<16xi32>
          %jit3A_162 = arith.constant 1 : i32
          %jit3A_163 = arith.constant 0 : i32
          %broadcast_in_dim3A_164 = vector.broadcast %jit3A_162 : i32 to vector<16xi32>
          %broadcast_in_dim3A_165 = vector.broadcast %jit3A_163 : i32 to vector<16xi32>
          %select_n3A_166 = arith.select %ge3A_161, %broadcast_in_dim3A_164, %broadcast_in_dim3A_165 : vector<16xi1>, vector<16xi32>
          %add3A_167 = arith.addi %add3A_151, %select_n3A_166 : vector<16xi32>
          %scan3A_168 = arith.constant 2 : i32
          %scan3A_169 = arith.addi %scan3A_137, %scan3A_168 : i32
          %mul3A_170 = arith.constant 16 : i32
          %mul3A_171 = arith.muli %scan3A_169, %mul3A_170 : i32
          %get3A_172 = arith.constant 1 : i32
          %get3A_173 = arith.index_cast %get3A_172 : i32 to index
          %get3A_174 = arith.index_cast %mul3A_171 : i32 to index
          %get3A_175 = tpu.vector_load %arg5[%get3A_173, %get3A_174] {strides = array<i32>} : memref<8x2048xi32, #tpu.memory_space<vmem>>, vector<1x16xi32>,
          %get3A_176 = vector.shape_cast %get3A_175 : vector<1x16xi32> to vector<16xi32>
          %ge3A_177 = arith.cmpi sge, %get3A_176, %add3A_25 : vector<16xi32>
          %jit3A_178 = arith.constant 1 : i32
          %jit3A_179 = arith.constant 0 : i32
          %broadcast_in_dim3A_180 = vector.broadcast %jit3A_178 : i32 to vector<16xi32>
          %broadcast_in_dim3A_181 = vector.broadcast %jit3A_179 : i32 to vector<16xi32>
          %select_n3A_182 = arith.select %ge3A_177, %broadcast_in_dim3A_180, %broadcast_in_dim3A_181 : vector<16xi1>, vector<16xi32>
          %add3A_183 = arith.addi %add3A_167, %select_n3A_182 : vector<16xi32>
          %scan3A_184 = arith.constant 3 : i32
          %scan3A_185 = arith.addi %scan3A_137, %scan3A_184 : i32
          %mul3A_186 = arith.constant 16 : i32
          %mul3A_187 = arith.muli %scan3A_185, %mul3A_186 : i32
          %get3A_188 = arith.constant 1 : i32
          %get3A_189 = arith.index_cast %get3A_188 : i32 to index
          %get3A_190 = arith.index_cast %mul3A_187 : i32 to index
          %get3A_191 = tpu.vector_load %arg5[%get3A_189, %get3A_190] {strides = array<i32>} : memref<8x2048xi32, #tpu.memory_space<vmem>>, vector<1x16xi32>,
          %get3A_192 = vector.shape_cast %get3A_191 : vector<1x16xi32> to vector<16xi32>
          %ge3A_193 = arith.cmpi sge, %get3A_192, %add3A_25 : vector<16xi32>
          %jit3A_194 = arith.constant 1 : i32
          %jit3A_195 = arith.constant 0 : i32
          %broadcast_in_dim3A_196 = vector.broadcast %jit3A_194 : i32 to vector<16xi32>
          %broadcast_in_dim3A_197 = vector.broadcast %jit3A_195 : i32 to vector<16xi32>
          %select_n3A_198 = arith.select %ge3A_193, %broadcast_in_dim3A_196, %broadcast_in_dim3A_197 : vector<16xi1>, vector<16xi32>
          %add3A_199 = arith.addi %add3A_183, %select_n3A_198 : vector<16xi32>
          %scan3A_200 = arith.constant 4 : i32
          %scan3A_201 = arith.addi %scan3A_137, %scan3A_200 : i32
          %mul3A_202 = arith.constant 16 : i32
          %mul3A_203 = arith.muli %scan3A_201, %mul3A_202 : i32
          %get3A_204 = arith.constant 1 : i32
          %get3A_205 = arith.index_cast %get3A_204 : i32 to index
          %get3A_206 = arith.index_cast %mul3A_203 : i32 to index
          %get3A_207 = tpu.vector_load %arg5[%get3A_205, %get3A_206] {strides = array<i32>} : memref<8x2048xi32, #tpu.memory_space<vmem>>, vector<1x16xi32>,
          %get3A_208 = vector.shape_cast %get3A_207 : vector<1x16xi32> to vector<16xi32>
          %ge3A_209 = arith.cmpi sge, %get3A_208, %add3A_25 : vector<16xi32>
          %jit3A_210 = arith.constant 1 : i32
          %jit3A_211 = arith.constant 0 : i32
          %broadcast_in_dim3A_212 = vector.broadcast %jit3A_210 : i32 to vector<16xi32>
          %broadcast_in_dim3A_213 = vector.broadcast %jit3A_211 : i32 to vector<16xi32>
          %select_n3A_214 = arith.select %ge3A_209, %broadcast_in_dim3A_212, %broadcast_in_dim3A_213 : vector<16xi1>, vector<16xi32>
          %add3A_215 = arith.addi %add3A_199, %select_n3A_214 : vector<16xi32>
          %scan3A_216 = arith.constant 5 : i32
          %scan3A_217 = arith.addi %scan3A_137, %scan3A_216 : i32
          %mul3A_218 = arith.constant 16 : i32
          %mul3A_219 = arith.muli %scan3A_217, %mul3A_218 : i32
          %get3A_220 = arith.constant 1 : i32
          %get3A_221 = arith.index_cast %get3A_220 : i32 to index
          %get3A_222 = arith.index_cast %mul3A_219 : i32 to index
          %get3A_223 = tpu.vector_load %arg5[%get3A_221, %get3A_222] {strides = array<i32>} : memref<8x2048xi32, #tpu.memory_space<vmem>>, vector<1x16xi32>,
          %get3A_224 = vector.shape_cast %get3A_223 : vector<1x16xi32> to vector<16xi32>
          %ge3A_225 = arith.cmpi sge, %get3A_224, %add3A_25 : vector<16xi32>
          %jit3A_226 = arith.constant 1 : i32
          %jit3A_227 = arith.constant 0 : i32
          %broadcast_in_dim3A_228 = vector.broadcast %jit3A_226 : i32 to vector<16xi32>
          %broadcast_in_dim3A_229 = vector.broadcast %jit3A_227 : i32 to vector<16xi32>
          %select_n3A_230 = arith.select %ge3A_225, %broadcast_in_dim3A_228, %broadcast_in_dim3A_229 : vector<16xi1>, vector<16xi32>
          %add3A_231 = arith.addi %add3A_215, %select_n3A_230 : vector<16xi32>
          %scan3A_232 = arith.constant 6 : i32
          %scan3A_233 = arith.addi %scan3A_137, %scan3A_232 : i32
          %mul3A_234 = arith.constant 16 : i32
          %mul3A_235 = arith.muli %scan3A_233, %mul3A_234 : i32
          %get3A_236 = arith.constant 1 : i32
          %get3A_237 = arith.index_cast %get3A_236 : i32 to index
          %get3A_238 = arith.index_cast %mul3A_235 : i32 to index
          %get3A_239 = tpu.vector_load %arg5[%get3A_237, %get3A_238] {strides = array<i32>} : memref<8x2048xi32, #tpu.memory_space<vmem>>, vector<1x16xi32>,
          %get3A_240 = vector.shape_cast %get3A_239 : vector<1x16xi32> to vector<16xi32>
          %ge3A_241 = arith.cmpi sge, %get3A_240, %add3A_25 : vector<16xi32>
          %jit3A_242 = arith.constant 1 : i32
          %jit3A_243 = arith.constant 0 : i32
          %broadcast_in_dim3A_244 = vector.broadcast %jit3A_242 : i32 to vector<16xi32>
          %broadcast_in_dim3A_245 = vector.broadcast %jit3A_243 : i32 to vector<16xi32>
          %select_n3A_246 = arith.select %ge3A_241, %broadcast_in_dim3A_244, %broadcast_in_dim3A_245 : vector<16xi1>, vector<16xi32>
          %add3A_247 = arith.addi %add3A_231, %select_n3A_246 : vector<16xi32>
          %scan3A_248 = arith.constant 7 : i32
          %scan3A_249 = arith.addi %scan3A_137, %scan3A_248 : i32
          %mul3A_250 = arith.constant 16 : i32
          %mul3A_251 = arith.muli %scan3A_249, %mul3A_250 : i32
          %get3A_252 = arith.constant 1 : i32
          %get3A_253 = arith.index_cast %get3A_252 : i32 to index
          %get3A_254 = arith.index_cast %mul3A_251 : i32 to index
          %get3A_255 = tpu.vector_load %arg5[%get3A_253, %get3A_254] {strides = array<i32>} : memref<8x2048xi32, #tpu.memory_space<vmem>>, vector<1x16xi32>,
          %get3A_256 = vector.shape_cast %get3A_255 : vector<1x16xi32> to vector<16xi32>
          %ge3A_257 = arith.cmpi sge, %get3A_256, %add3A_25 : vector<16xi32>
          %jit3A_258 = arith.constant 1 : i32
          %jit3A_259 = arith.constant 0 : i32
          %broadcast_in_dim3A_260 = vector.broadcast %jit3A_258 : i32 to vector<16xi32>
          %broadcast_in_dim3A_261 = vector.broadcast %jit3A_259 : i32 to vector<16xi32>
          %select_n3A_262 = arith.select %ge3A_257, %broadcast_in_dim3A_260, %broadcast_in_dim3A_261 : vector<16xi1>, vector<16xi32>
          %add3A_263 = arith.addi %add3A_247, %select_n3A_262 : vector<16xi32>
          scf.yield %add3A_263 : vector<16xi32>
        }
        %scan3A_39 = arith.constant 128 : i32
        %scan3A_40 = arith.constant 0 : i32
        %scan3A_41 = arith.constant 128 : i32
        %scan3A_42 = arith.addi %scan3A_40, %scan3A_41 : i32
        %scan3A_43 = arith.constant 8 : i32
        %scan3A_44 = scf.for %scan3A_137 = %scan3A_40 to %scan3A_42 step %scan3A_43 iter_args(%scan3A_138 = %scan3A_38) -> (vector<16xi32>)  : i32 {
          %mul3A_139 = arith.constant 16 : i32
          %mul3A_140 = arith.muli %scan3A_137, %mul3A_139 : i32
          %get3A_141 = arith.constant 2 : i32
          %get3A_142 = arith.index_cast %get3A_141 : i32 to index
          %get3A_143 = arith.index_cast %mul3A_140 : i32 to index
          %get3A_144 = tpu.vector_load %arg5[%get3A_142, %get3A_143] {strides = array<i32>} : memref<8x2048xi32, #tpu.memory_space<vmem>>, vector<1x16xi32>,
          %get3A_145 = vector.shape_cast %get3A_144 : vector<1x16xi32> to vector<16xi32>
          %ge3A_146 = arith.cmpi sge, %get3A_145, %add3A_25 : vector<16xi32>
          %jit3A = arith.constant 1 : i32
          %jit3A_147 = arith.constant 0 : i32
          %broadcast_in_dim3A_148 = vector.broadcast %jit3A : i32 to vector<16xi32>
          %broadcast_in_dim3A_149 = vector.broadcast %jit3A_147 : i32 to vector<16xi32>
          %select_n3A_150 = arith.select %ge3A_146, %broadcast_in_dim3A_148, %broadcast_in_dim3A_149 : vector<16xi1>, vector<16xi32>
          %add3A_151 = arith.addi %scan3A_138, %select_n3A_150 : vector<16xi32>
          %scan3A_152 = arith.constant 1 : i32
          %scan3A_153 = arith.addi %scan3A_137, %scan3A_152 : i32
          %mul3A_154 = arith.constant 16 : i32
          %mul3A_155 = arith.muli %scan3A_153, %mul3A_154 : i32
          %get3A_156 = arith.constant 2 : i32
          %get3A_157 = arith.index_cast %get3A_156 : i32 to index
          %get3A_158 = arith.index_cast %mul3A_155 : i32 to index
          %get3A_159 = tpu.vector_load %arg5[%get3A_157, %get3A_158] {strides = array<i32>} : memref<8x2048xi32, #tpu.memory_space<vmem>>, vector<1x16xi32>,
          %get3A_160 = vector.shape_cast %get3A_159 : vector<1x16xi32> to vector<16xi32>
          %ge3A_161 = arith.cmpi sge, %get3A_160, %add3A_25 : vector<16xi32>
          %jit3A_162 = arith.constant 1 : i32
          %jit3A_163 = arith.constant 0 : i32
          %broadcast_in_dim3A_164 = vector.broadcast %jit3A_162 : i32 to vector<16xi32>
          %broadcast_in_dim3A_165 = vector.broadcast %jit3A_163 : i32 to vector<16xi32>
          %select_n3A_166 = arith.select %ge3A_161, %broadcast_in_dim3A_164, %broadcast_in_dim3A_165 : vector<16xi1>, vector<16xi32>
          %add3A_167 = arith.addi %add3A_151, %select_n3A_166 : vector<16xi32>
          %scan3A_168 = arith.constant 2 : i32
          %scan3A_169 = arith.addi %scan3A_137, %scan3A_168 : i32
          %mul3A_170 = arith.constant 16 : i32
          %mul3A_171 = arith.muli %scan3A_169, %mul3A_170 : i32
          %get3A_172 = arith.constant 2 : i32
          %get3A_173 = arith.index_cast %get3A_172 : i32 to index
          %get3A_174 = arith.index_cast %mul3A_171 : i32 to index
          %get3A_175 = tpu.vector_load %arg5[%get3A_173, %get3A_174] {strides = array<i32>} : memref<8x2048xi32, #tpu.memory_space<vmem>>, vector<1x16xi32>,
          %get3A_176 = vector.shape_cast %get3A_175 : vector<1x16xi32> to vector<16xi32>
          %ge3A_177 = arith.cmpi sge, %get3A_176, %add3A_25 : vector<16xi32>
          %jit3A_178 = arith.constant 1 : i32
          %jit3A_179 = arith.constant 0 : i32
          %broadcast_in_dim3A_180 = vector.broadcast %jit3A_178 : i32 to vector<16xi32>
          %broadcast_in_dim3A_181 = vector.broadcast %jit3A_179 : i32 to vector<16xi32>
          %select_n3A_182 = arith.select %ge3A_177, %broadcast_in_dim3A_180, %broadcast_in_dim3A_181 : vector<16xi1>, vector<16xi32>
          %add3A_183 = arith.addi %add3A_167, %select_n3A_182 : vector<16xi32>
          %scan3A_184 = arith.constant 3 : i32
          %scan3A_185 = arith.addi %scan3A_137, %scan3A_184 : i32
          %mul3A_186 = arith.constant 16 : i32
          %mul3A_187 = arith.muli %scan3A_185, %mul3A_186 : i32
          %get3A_188 = arith.constant 2 : i32
          %get3A_189 = arith.index_cast %get3A_188 : i32 to index
          %get3A_190 = arith.index_cast %mul3A_187 : i32 to index
          %get3A_191 = tpu.vector_load %arg5[%get3A_189, %get3A_190] {strides = array<i32>} : memref<8x2048xi32, #tpu.memory_space<vmem>>, vector<1x16xi32>,
          %get3A_192 = vector.shape_cast %get3A_191 : vector<1x16xi32> to vector<16xi32>
          %ge3A_193 = arith.cmpi sge, %get3A_192, %add3A_25 : vector<16xi32>
          %jit3A_194 = arith.constant 1 : i32
          %jit3A_195 = arith.constant 0 : i32
          %broadcast_in_dim3A_196 = vector.broadcast %jit3A_194 : i32 to vector<16xi32>
          %broadcast_in_dim3A_197 = vector.broadcast %jit3A_195 : i32 to vector<16xi32>
          %select_n3A_198 = arith.select %ge3A_193, %broadcast_in_dim3A_196, %broadcast_in_dim3A_197 : vector<16xi1>, vector<16xi32>
          %add3A_199 = arith.addi %add3A_183, %select_n3A_198 : vector<16xi32>
          %scan3A_200 = arith.constant 4 : i32
          %scan3A_201 = arith.addi %scan3A_137, %scan3A_200 : i32
          %mul3A_202 = arith.constant 16 : i32
          %mul3A_203 = arith.muli %scan3A_201, %mul3A_202 : i32
          %get3A_204 = arith.constant 2 : i32
          %get3A_205 = arith.index_cast %get3A_204 : i32 to index
          %get3A_206 = arith.index_cast %mul3A_203 : i32 to index
          %get3A_207 = tpu.vector_load %arg5[%get3A_205, %get3A_206] {strides = array<i32>} : memref<8x2048xi32, #tpu.memory_space<vmem>>, vector<1x16xi32>,
          %get3A_208 = vector.shape_cast %get3A_207 : vector<1x16xi32> to vector<16xi32>
          %ge3A_209 = arith.cmpi sge, %get3A_208, %add3A_25 : vector<16xi32>
          %jit3A_210 = arith.constant 1 : i32
          %jit3A_211 = arith.constant 0 : i32
          %broadcast_in_dim3A_212 = vector.broadcast %jit3A_210 : i32 to vector<16xi32>
          %broadcast_in_dim3A_213 = vector.broadcast %jit3A_211 : i32 to vector<16xi32>
          %select_n3A_214 = arith.select %ge3A_209, %broadcast_in_dim3A_212, %broadcast_in_dim3A_213 : vector<16xi1>, vector<16xi32>
          %add3A_215 = arith.addi %add3A_199, %select_n3A_214 : vector<16xi32>
          %scan3A_216 = arith.constant 5 : i32
          %scan3A_217 = arith.addi %scan3A_137, %scan3A_216 : i32
          %mul3A_218 = arith.constant 16 : i32
          %mul3A_219 = arith.muli %scan3A_217, %mul3A_218 : i32
          %get3A_220 = arith.constant 2 : i32
          %get3A_221 = arith.index_cast %get3A_220 : i32 to index
          %get3A_222 = arith.index_cast %mul3A_219 : i32 to index
          %get3A_223 = tpu.vector_load %arg5[%get3A_221, %get3A_222] {strides = array<i32>} : memref<8x2048xi32, #tpu.memory_space<vmem>>, vector<1x16xi32>,
          %get3A_224 = vector.shape_cast %get3A_223 : vector<1x16xi32> to vector<16xi32>
          %ge3A_225 = arith.cmpi sge, %get3A_224, %add3A_25 : vector<16xi32>
          %jit3A_226 = arith.constant 1 : i32
          %jit3A_227 = arith.constant 0 : i32
          %broadcast_in_dim3A_228 = vector.broadcast %jit3A_226 : i32 to vector<16xi32>
          %broadcast_in_dim3A_229 = vector.broadcast %jit3A_227 : i32 to vector<16xi32>
          %select_n3A_230 = arith.select %ge3A_225, %broadcast_in_dim3A_228, %broadcast_in_dim3A_229 : vector<16xi1>, vector<16xi32>
          %add3A_231 = arith.addi %add3A_215, %select_n3A_230 : vector<16xi32>
          %scan3A_232 = arith.constant 6 : i32
          %scan3A_233 = arith.addi %scan3A_137, %scan3A_232 : i32
          %mul3A_234 = arith.constant 16 : i32
          %mul3A_235 = arith.muli %scan3A_233, %mul3A_234 : i32
          %get3A_236 = arith.constant 2 : i32
          %get3A_237 = arith.index_cast %get3A_236 : i32 to index
          %get3A_238 = arith.index_cast %mul3A_235 : i32 to index
          %get3A_239 = tpu.vector_load %arg5[%get3A_237, %get3A_238] {strides = array<i32>} : memref<8x2048xi32, #tpu.memory_space<vmem>>, vector<1x16xi32>,
          %get3A_240 = vector.shape_cast %get3A_239 : vector<1x16xi32> to vector<16xi32>
          %ge3A_241 = arith.cmpi sge, %get3A_240, %add3A_25 : vector<16xi32>
          %jit3A_242 = arith.constant 1 : i32
          %jit3A_243 = arith.constant 0 : i32
          %broadcast_in_dim3A_244 = vector.broadcast %jit3A_242 : i32 to vector<16xi32>
          %broadcast_in_dim3A_245 = vector.broadcast %jit3A_243 : i32 to vector<16xi32>
          %select_n3A_246 = arith.select %ge3A_241, %broadcast_in_dim3A_244, %broadcast_in_dim3A_245 : vector<16xi1>, vector<16xi32>
          %add3A_247 = arith.addi %add3A_231, %select_n3A_246 : vector<16xi32>
          %scan3A_248 = arith.constant 7 : i32
          %scan3A_249 = arith.addi %scan3A_137, %scan3A_248 : i32
          %mul3A_250 = arith.constant 16 : i32
          %mul3A_251 = arith.muli %scan3A_249, %mul3A_250 : i32
          %get3A_252 = arith.constant 2 : i32
          %get3A_253 = arith.index_cast %get3A_252 : i32 to index
          %get3A_254 = arith.index_cast %mul3A_251 : i32 to index
          %get3A_255 = tpu.vector_load %arg5[%get3A_253, %get3A_254] {strides = array<i32>} : memref<8x2048xi32, #tpu.memory_space<vmem>>, vector<1x16xi32>,
          %get3A_256 = vector.shape_cast %get3A_255 : vector<1x16xi32> to vector<16xi32>
          %ge3A_257 = arith.cmpi sge, %get3A_256, %add3A_25 : vector<16xi32>
          %jit3A_258 = arith.constant 1 : i32
          %jit3A_259 = arith.constant 0 : i32
          %broadcast_in_dim3A_260 = vector.broadcast %jit3A_258 : i32 to vector<16xi32>
          %broadcast_in_dim3A_261 = vector.broadcast %jit3A_259 : i32 to vector<16xi32>
          %select_n3A_262 = arith.select %ge3A_257, %broadcast_in_dim3A_260, %broadcast_in_dim3A_261 : vector<16xi1>, vector<16xi32>
          %add3A_263 = arith.addi %add3A_247, %select_n3A_262 : vector<16xi32>
          scf.yield %add3A_263 : vector<16xi32>
        }
        %scan3A_45 = arith.constant 128 : i32
        %scan3A_46 = arith.constant 0 : i32
        %scan3A_47 = arith.constant 128 : i32
        %scan3A_48 = arith.addi %scan3A_46, %scan3A_47 : i32
        %scan3A_49 = arith.constant 8 : i32
        %scan3A_50 = scf.for %scan3A_137 = %scan3A_46 to %scan3A_48 step %scan3A_49 iter_args(%scan3A_138 = %scan3A_44) -> (vector<16xi32>)  : i32 {
          %mul3A_139 = arith.constant 16 : i32
          %mul3A_140 = arith.muli %scan3A_137, %mul3A_139 : i32
          %get3A_141 = arith.constant 3 : i32
          %get3A_142 = arith.index_cast %get3A_141 : i32 to index
          %get3A_143 = arith.index_cast %mul3A_140 : i32 to index
          %get3A_144 = tpu.vector_load %arg5[%get3A_142, %get3A_143] {strides = array<i32>} : memref<8x2048xi32, #tpu.memory_space<vmem>>, vector<1x16xi32>,
          %get3A_145 = vector.shape_cast %get3A_144 : vector<1x16xi32> to vector<16xi32>
          %ge3A_146 = arith.cmpi sge, %get3A_145, %add3A_25 : vector<16xi32>
          %jit3A = arith.constant 1 : i32
          %jit3A_147 = arith.constant 0 : i32
          %broadcast_in_dim3A_148 = vector.broadcast %jit3A : i32 to vector<16xi32>
          %broadcast_in_dim3A_149 = vector.broadcast %jit3A_147 : i32 to vector<16xi32>
          %select_n3A_150 = arith.select %ge3A_146, %broadcast_in_dim3A_148, %broadcast_in_dim3A_149 : vector<16xi1>, vector<16xi32>
          %add3A_151 = arith.addi %scan3A_138, %select_n3A_150 : vector<16xi32>
          %scan3A_152 = arith.constant 1 : i32
          %scan3A_153 = arith.addi %scan3A_137, %scan3A_152 : i32
          %mul3A_154 = arith.constant 16 : i32
          %mul3A_155 = arith.muli %scan3A_153, %mul3A_154 : i32
          %get3A_156 = arith.constant 3 : i32
          %get3A_157 = arith.index_cast %get3A_156 : i32 to index
          %get3A_158 = arith.index_cast %mul3A_155 : i32 to index
          %get3A_159 = tpu.vector_load %arg5[%get3A_157, %get3A_158] {strides = array<i32>} : memref<8x2048xi32, #tpu.memory_space<vmem>>, vector<1x16xi32>,
          %get3A_160 = vector.shape_cast %get3A_159 : vector<1x16xi32> to vector<16xi32>
          %ge3A_161 = arith.cmpi sge, %get3A_160, %add3A_25 : vector<16xi32>
          %jit3A_162 = arith.constant 1 : i32
          %jit3A_163 = arith.constant 0 : i32
          %broadcast_in_dim3A_164 = vector.broadcast %jit3A_162 : i32 to vector<16xi32>
          %broadcast_in_dim3A_165 = vector.broadcast %jit3A_163 : i32 to vector<16xi32>
          %select_n3A_166 = arith.select %ge3A_161, %broadcast_in_dim3A_164, %broadcast_in_dim3A_165 : vector<16xi1>, vector<16xi32>
          %add3A_167 = arith.addi %add3A_151, %select_n3A_166 : vector<16xi32>
          %scan3A_168 = arith.constant 2 : i32
          %scan3A_169 = arith.addi %scan3A_137, %scan3A_168 : i32
          %mul3A_170 = arith.constant 16 : i32
          %mul3A_171 = arith.muli %scan3A_169, %mul3A_170 : i32
          %get3A_172 = arith.constant 3 : i32
          %get3A_173 = arith.index_cast %get3A_172 : i32 to index
          %get3A_174 = arith.index_cast %mul3A_171 : i32 to index
          %get3A_175 = tpu.vector_load %arg5[%get3A_173, %get3A_174] {strides = array<i32>} : memref<8x2048xi32, #tpu.memory_space<vmem>>, vector<1x16xi32>,
          %get3A_176 = vector.shape_cast %get3A_175 : vector<1x16xi32> to vector<16xi32>
          %ge3A_177 = arith.cmpi sge, %get3A_176, %add3A_25 : vector<16xi32>
          %jit3A_178 = arith.constant 1 : i32
          %jit3A_179 = arith.constant 0 : i32
          %broadcast_in_dim3A_180 = vector.broadcast %jit3A_178 : i32 to vector<16xi32>
          %broadcast_in_dim3A_181 = vector.broadcast %jit3A_179 : i32 to vector<16xi32>
          %select_n3A_182 = arith.select %ge3A_177, %broadcast_in_dim3A_180, %broadcast_in_dim3A_181 : vector<16xi1>, vector<16xi32>
          %add3A_183 = arith.addi %add3A_167, %select_n3A_182 : vector<16xi32>
          %scan3A_184 = arith.constant 3 : i32
          %scan3A_185 = arith.addi %scan3A_137, %scan3A_184 : i32
          %mul3A_186 = arith.constant 16 : i32
          %mul3A_187 = arith.muli %scan3A_185, %mul3A_186 : i32
          %get3A_188 = arith.constant 3 : i32
          %get3A_189 = arith.index_cast %get3A_188 : i32 to index
          %get3A_190 = arith.index_cast %mul3A_187 : i32 to index
          %get3A_191 = tpu.vector_load %arg5[%get3A_189, %get3A_190] {strides = array<i32>} : memref<8x2048xi32, #tpu.memory_space<vmem>>, vector<1x16xi32>,
          %get3A_192 = vector.shape_cast %get3A_191 : vector<1x16xi32> to vector<16xi32>
          %ge3A_193 = arith.cmpi sge, %get3A_192, %add3A_25 : vector<16xi32>
          %jit3A_194 = arith.constant 1 : i32
          %jit3A_195 = arith.constant 0 : i32
          %broadcast_in_dim3A_196 = vector.broadcast %jit3A_194 : i32 to vector<16xi32>
          %broadcast_in_dim3A_197 = vector.broadcast %jit3A_195 : i32 to vector<16xi32>
          %select_n3A_198 = arith.select %ge3A_193, %broadcast_in_dim3A_196, %broadcast_in_dim3A_197 : vector<16xi1>, vector<16xi32>
          %add3A_199 = arith.addi %add3A_183, %select_n3A_198 : vector<16xi32>
          %scan3A_200 = arith.constant 4 : i32
          %scan3A_201 = arith.addi %scan3A_137, %scan3A_200 : i32
          %mul3A_202 = arith.constant 16 : i32
          %mul3A_203 = arith.muli %scan3A_201, %mul3A_202 : i32
          %get3A_204 = arith.constant 3 : i32
          %get3A_205 = arith.index_cast %get3A_204 : i32 to index
          %get3A_206 = arith.index_cast %mul3A_203 : i32 to index
          %get3A_207 = tpu.vector_load %arg5[%get3A_205, %get3A_206] {strides = array<i32>} : memref<8x2048xi32, #tpu.memory_space<vmem>>, vector<1x16xi32>,
          %get3A_208 = vector.shape_cast %get3A_207 : vector<1x16xi32> to vector<16xi32>
          %ge3A_209 = arith.cmpi sge, %get3A_208, %add3A_25 : vector<16xi32>
          %jit3A_210 = arith.constant 1 : i32
          %jit3A_211 = arith.constant 0 : i32
          %broadcast_in_dim3A_212 = vector.broadcast %jit3A_210 : i32 to vector<16xi32>
          %broadcast_in_dim3A_213 = vector.broadcast %jit3A_211 : i32 to vector<16xi32>
          %select_n3A_214 = arith.select %ge3A_209, %broadcast_in_dim3A_212, %broadcast_in_dim3A_213 : vector<16xi1>, vector<16xi32>
          %add3A_215 = arith.addi %add3A_199, %select_n3A_214 : vector<16xi32>
          %scan3A_216 = arith.constant 5 : i32
          %scan3A_217 = arith.addi %scan3A_137, %scan3A_216 : i32
          %mul3A_218 = arith.constant 16 : i32
          %mul3A_219 = arith.muli %scan3A_217, %mul3A_218 : i32
          %get3A_220 = arith.constant 3 : i32
          %get3A_221 = arith.index_cast %get3A_220 : i32 to index
          %get3A_222 = arith.index_cast %mul3A_219 : i32 to index
          %get3A_223 = tpu.vector_load %arg5[%get3A_221, %get3A_222] {strides = array<i32>} : memref<8x2048xi32, #tpu.memory_space<vmem>>, vector<1x16xi32>,
          %get3A_224 = vector.shape_cast %get3A_223 : vector<1x16xi32> to vector<16xi32>
          %ge3A_225 = arith.cmpi sge, %get3A_224, %add3A_25 : vector<16xi32>
          %jit3A_226 = arith.constant 1 : i32
          %jit3A_227 = arith.constant 0 : i32
          %broadcast_in_dim3A_228 = vector.broadcast %jit3A_226 : i32 to vector<16xi32>
          %broadcast_in_dim3A_229 = vector.broadcast %jit3A_227 : i32 to vector<16xi32>
          %select_n3A_230 = arith.select %ge3A_225, %broadcast_in_dim3A_228, %broadcast_in_dim3A_229 : vector<16xi1>, vector<16xi32>
          %add3A_231 = arith.addi %add3A_215, %select_n3A_230 : vector<16xi32>
          %scan3A_232 = arith.constant 6 : i32
          %scan3A_233 = arith.addi %scan3A_137, %scan3A_232 : i32
          %mul3A_234 = arith.constant 16 : i32
          %mul3A_235 = arith.muli %scan3A_233, %mul3A_234 : i32
          %get3A_236 = arith.constant 3 : i32
          %get3A_237 = arith.index_cast %get3A_236 : i32 to index
          %get3A_238 = arith.index_cast %mul3A_235 : i32 to index
          %get3A_239 = tpu.vector_load %arg5[%get3A_237, %get3A_238] {strides = array<i32>} : memref<8x2048xi32, #tpu.memory_space<vmem>>, vector<1x16xi32>,
          %get3A_240 = vector.shape_cast %get3A_239 : vector<1x16xi32> to vector<16xi32>
          %ge3A_241 = arith.cmpi sge, %get3A_240, %add3A_25 : vector<16xi32>
          %jit3A_242 = arith.constant 1 : i32
          %jit3A_243 = arith.constant 0 : i32
          %broadcast_in_dim3A_244 = vector.broadcast %jit3A_242 : i32 to vector<16xi32>
          %broadcast_in_dim3A_245 = vector.broadcast %jit3A_243 : i32 to vector<16xi32>
          %select_n3A_246 = arith.select %ge3A_241, %broadcast_in_dim3A_244, %broadcast_in_dim3A_245 : vector<16xi1>, vector<16xi32>
          %add3A_247 = arith.addi %add3A_231, %select_n3A_246 : vector<16xi32>
          %scan3A_248 = arith.constant 7 : i32
          %scan3A_249 = arith.addi %scan3A_137, %scan3A_248 : i32
          %mul3A_250 = arith.constant 16 : i32
          %mul3A_251 = arith.muli %scan3A_249, %mul3A_250 : i32
          %get3A_252 = arith.constant 3 : i32
          %get3A_253 = arith.index_cast %get3A_252 : i32 to index
          %get3A_254 = arith.index_cast %mul3A_251 : i32 to index
          %get3A_255 = tpu.vector_load %arg5[%get3A_253, %get3A_254] {strides = array<i32>} : memref<8x2048xi32, #tpu.memory_space<vmem>>, vector<1x16xi32>,
          %get3A_256 = vector.shape_cast %get3A_255 : vector<1x16xi32> to vector<16xi32>
          %ge3A_257 = arith.cmpi sge, %get3A_256, %add3A_25 : vector<16xi32>
          %jit3A_258 = arith.constant 1 : i32
          %jit3A_259 = arith.constant 0 : i32
          %broadcast_in_dim3A_260 = vector.broadcast %jit3A_258 : i32 to vector<16xi32>
          %broadcast_in_dim3A_261 = vector.broadcast %jit3A_259 : i32 to vector<16xi32>
          %select_n3A_262 = arith.select %ge3A_257, %broadcast_in_dim3A_260, %broadcast_in_dim3A_261 : vector<16xi1>, vector<16xi32>
          %add3A_263 = arith.addi %add3A_247, %select_n3A_262 : vector<16xi32>
          scf.yield %add3A_263 : vector<16xi32>
        }
        %scan3A_51 = arith.constant 128 : i32
        %scan3A_52 = arith.constant 0 : i32
        %scan3A_53 = arith.constant 128 : i32
        %scan3A_54 = arith.addi %scan3A_52, %scan3A_53 : i32
        %scan3A_55 = arith.constant 8 : i32
        %scan3A_56 = scf.for %scan3A_137 = %scan3A_52 to %scan3A_54 step %scan3A_55 iter_args(%scan3A_138 = %scan3A_50) -> (vector<16xi32>)  : i32 {
          %mul3A_139 = arith.constant 16 : i32
          %mul3A_140 = arith.muli %scan3A_137, %mul3A_139 : i32
          %get3A_141 = arith.constant 4 : i32
          %get3A_142 = arith.index_cast %get3A_141 : i32 to index
          %get3A_143 = arith.index_cast %mul3A_140 : i32 to index
          %get3A_144 = tpu.vector_load %arg5[%get3A_142, %get3A_143] {strides = array<i32>} : memref<8x2048xi32, #tpu.memory_space<vmem>>, vector<1x16xi32>,
          %get3A_145 = vector.shape_cast %get3A_144 : vector<1x16xi32> to vector<16xi32>
          %ge3A_146 = arith.cmpi sge, %get3A_145, %add3A_25 : vector<16xi32>
          %jit3A = arith.constant 1 : i32
          %jit3A_147 = arith.constant 0 : i32
          %broadcast_in_dim3A_148 = vector.broadcast %jit3A : i32 to vector<16xi32>
          %broadcast_in_dim3A_149 = vector.broadcast %jit3A_147 : i32 to vector<16xi32>
          %select_n3A_150 = arith.select %ge3A_146, %broadcast_in_dim3A_148, %broadcast_in_dim3A_149 : vector<16xi1>, vector<16xi32>
          %add3A_151 = arith.addi %scan3A_138, %select_n3A_150 : vector<16xi32>
          %scan3A_152 = arith.constant 1 : i32
          %scan3A_153 = arith.addi %scan3A_137, %scan3A_152 : i32
          %mul3A_154 = arith.constant 16 : i32
          %mul3A_155 = arith.muli %scan3A_153, %mul3A_154 : i32
          %get3A_156 = arith.constant 4 : i32
          %get3A_157 = arith.index_cast %get3A_156 : i32 to index
          %get3A_158 = arith.index_cast %mul3A_155 : i32 to index
          %get3A_159 = tpu.vector_load %arg5[%get3A_157, %get3A_158] {strides = array<i32>} : memref<8x2048xi32, #tpu.memory_space<vmem>>, vector<1x16xi32>,
          %get3A_160 = vector.shape_cast %get3A_159 : vector<1x16xi32> to vector<16xi32>
          %ge3A_161 = arith.cmpi sge, %get3A_160, %add3A_25 : vector<16xi32>
          %jit3A_162 = arith.constant 1 : i32
          %jit3A_163 = arith.constant 0 : i32
          %broadcast_in_dim3A_164 = vector.broadcast %jit3A_162 : i32 to vector<16xi32>
          %broadcast_in_dim3A_165 = vector.broadcast %jit3A_163 : i32 to vector<16xi32>
          %select_n3A_166 = arith.select %ge3A_161, %broadcast_in_dim3A_164, %broadcast_in_dim3A_165 : vector<16xi1>, vector<16xi32>
          %add3A_167 = arith.addi %add3A_151, %select_n3A_166 : vector<16xi32>
          %scan3A_168 = arith.constant 2 : i32
          %scan3A_169 = arith.addi %scan3A_137, %scan3A_168 : i32
          %mul3A_170 = arith.constant 16 : i32
          %mul3A_171 = arith.muli %scan3A_169, %mul3A_170 : i32
          %get3A_172 = arith.constant 4 : i32
          %get3A_173 = arith.index_cast %get3A_172 : i32 to index
          %get3A_174 = arith.index_cast %mul3A_171 : i32 to index
          %get3A_175 = tpu.vector_load %arg5[%get3A_173, %get3A_174] {strides = array<i32>} : memref<8x2048xi32, #tpu.memory_space<vmem>>, vector<1x16xi32>,
          %get3A_176 = vector.shape_cast %get3A_175 : vector<1x16xi32> to vector<16xi32>
          %ge3A_177 = arith.cmpi sge, %get3A_176, %add3A_25 : vector<16xi32>
          %jit3A_178 = arith.constant 1 : i32
          %jit3A_179 = arith.constant 0 : i32
          %broadcast_in_dim3A_180 = vector.broadcast %jit3A_178 : i32 to vector<16xi32>
          %broadcast_in_dim3A_181 = vector.broadcast %jit3A_179 : i32 to vector<16xi32>
          %select_n3A_182 = arith.select %ge3A_177, %broadcast_in_dim3A_180, %broadcast_in_dim3A_181 : vector<16xi1>, vector<16xi32>
          %add3A_183 = arith.addi %add3A_167, %select_n3A_182 : vector<16xi32>
          %scan3A_184 = arith.constant 3 : i32
          %scan3A_185 = arith.addi %scan3A_137, %scan3A_184 : i32
          %mul3A_186 = arith.constant 16 : i32
          %mul3A_187 = arith.muli %scan3A_185, %mul3A_186 : i32
          %get3A_188 = arith.constant 4 : i32
          %get3A_189 = arith.index_cast %get3A_188 : i32 to index
          %get3A_190 = arith.index_cast %mul3A_187 : i32 to index
          %get3A_191 = tpu.vector_load %arg5[%get3A_189, %get3A_190] {strides = array<i32>} : memref<8x2048xi32, #tpu.memory_space<vmem>>, vector<1x16xi32>,
          %get3A_192 = vector.shape_cast %get3A_191 : vector<1x16xi32> to vector<16xi32>
          %ge3A_193 = arith.cmpi sge, %get3A_192, %add3A_25 : vector<16xi32>
          %jit3A_194 = arith.constant 1 : i32
          %jit3A_195 = arith.constant 0 : i32
          %broadcast_in_dim3A_196 = vector.broadcast %jit3A_194 : i32 to vector<16xi32>
          %broadcast_in_dim3A_197 = vector.broadcast %jit3A_195 : i32 to vector<16xi32>
          %select_n3A_198 = arith.select %ge3A_193, %broadcast_in_dim3A_196, %broadcast_in_dim3A_197 : vector<16xi1>, vector<16xi32>
          %add3A_199 = arith.addi %add3A_183, %select_n3A_198 : vector<16xi32>
          %scan3A_200 = arith.constant 4 : i32
          %scan3A_201 = arith.addi %scan3A_137, %scan3A_200 : i32
          %mul3A_202 = arith.constant 16 : i32
          %mul3A_203 = arith.muli %scan3A_201, %mul3A_202 : i32
          %get3A_204 = arith.constant 4 : i32
          %get3A_205 = arith.index_cast %get3A_204 : i32 to index
          %get3A_206 = arith.index_cast %mul3A_203 : i32 to index
          %get3A_207 = tpu.vector_load %arg5[%get3A_205, %get3A_206] {strides = array<i32>} : memref<8x2048xi32, #tpu.memory_space<vmem>>, vector<1x16xi32>,
          %get3A_208 = vector.shape_cast %get3A_207 : vector<1x16xi32> to vector<16xi32>
          %ge3A_209 = arith.cmpi sge, %get3A_208, %add3A_25 : vector<16xi32>
          %jit3A_210 = arith.constant 1 : i32
          %jit3A_211 = arith.constant 0 : i32
          %broadcast_in_dim3A_212 = vector.broadcast %jit3A_210 : i32 to vector<16xi32>
          %broadcast_in_dim3A_213 = vector.broadcast %jit3A_211 : i32 to vector<16xi32>
          %select_n3A_214 = arith.select %ge3A_209, %broadcast_in_dim3A_212, %broadcast_in_dim3A_213 : vector<16xi1>, vector<16xi32>
          %add3A_215 = arith.addi %add3A_199, %select_n3A_214 : vector<16xi32>
          %scan3A_216 = arith.constant 5 : i32
          %scan3A_217 = arith.addi %scan3A_137, %scan3A_216 : i32
          %mul3A_218 = arith.constant 16 : i32
          %mul3A_219 = arith.muli %scan3A_217, %mul3A_218 : i32
          %get3A_220 = arith.constant 4 : i32
          %get3A_221 = arith.index_cast %get3A_220 : i32 to index
          %get3A_222 = arith.index_cast %mul3A_219 : i32 to index
          %get3A_223 = tpu.vector_load %arg5[%get3A_221, %get3A_222] {strides = array<i32>} : memref<8x2048xi32, #tpu.memory_space<vmem>>, vector<1x16xi32>,
          %get3A_224 = vector.shape_cast %get3A_223 : vector<1x16xi32> to vector<16xi32>
          %ge3A_225 = arith.cmpi sge, %get3A_224, %add3A_25 : vector<16xi32>
          %jit3A_226 = arith.constant 1 : i32
          %jit3A_227 = arith.constant 0 : i32
          %broadcast_in_dim3A_228 = vector.broadcast %jit3A_226 : i32 to vector<16xi32>
          %broadcast_in_dim3A_229 = vector.broadcast %jit3A_227 : i32 to vector<16xi32>
          %select_n3A_230 = arith.select %ge3A_225, %broadcast_in_dim3A_228, %broadcast_in_dim3A_229 : vector<16xi1>, vector<16xi32>
          %add3A_231 = arith.addi %add3A_215, %select_n3A_230 : vector<16xi32>
          %scan3A_232 = arith.constant 6 : i32
          %scan3A_233 = arith.addi %scan3A_137, %scan3A_232 : i32
          %mul3A_234 = arith.constant 16 : i32
          %mul3A_235 = arith.muli %scan3A_233, %mul3A_234 : i32
          %get3A_236 = arith.constant 4 : i32
          %get3A_237 = arith.index_cast %get3A_236 : i32 to index
          %get3A_238 = arith.index_cast %mul3A_235 : i32 to index
          %get3A_239 = tpu.vector_load %arg5[%get3A_237, %get3A_238] {strides = array<i32>} : memref<8x2048xi32, #tpu.memory_space<vmem>>, vector<1x16xi32>,
          %get3A_240 = vector.shape_cast %get3A_239 : vector<1x16xi32> to vector<16xi32>
          %ge3A_241 = arith.cmpi sge, %get3A_240, %add3A_25 : vector<16xi32>
          %jit3A_242 = arith.constant 1 : i32
          %jit3A_243 = arith.constant 0 : i32
          %broadcast_in_dim3A_244 = vector.broadcast %jit3A_242 : i32 to vector<16xi32>
          %broadcast_in_dim3A_245 = vector.broadcast %jit3A_243 : i32 to vector<16xi32>
          %select_n3A_246 = arith.select %ge3A_241, %broadcast_in_dim3A_244, %broadcast_in_dim3A_245 : vector<16xi1>, vector<16xi32>
          %add3A_247 = arith.addi %add3A_231, %select_n3A_246 : vector<16xi32>
          %scan3A_248 = arith.constant 7 : i32
          %scan3A_249 = arith.addi %scan3A_137, %scan3A_248 : i32
          %mul3A_250 = arith.constant 16 : i32
          %mul3A_251 = arith.muli %scan3A_249, %mul3A_250 : i32
          %get3A_252 = arith.constant 4 : i32
          %get3A_253 = arith.index_cast %get3A_252 : i32 to index
          %get3A_254 = arith.index_cast %mul3A_251 : i32 to index
          %get3A_255 = tpu.vector_load %arg5[%get3A_253, %get3A_254] {strides = array<i32>} : memref<8x2048xi32, #tpu.memory_space<vmem>>, vector<1x16xi32>,
          %get3A_256 = vector.shape_cast %get3A_255 : vector<1x16xi32> to vector<16xi32>
          %ge3A_257 = arith.cmpi sge, %get3A_256, %add3A_25 : vector<16xi32>
          %jit3A_258 = arith.constant 1 : i32
          %jit3A_259 = arith.constant 0 : i32
          %broadcast_in_dim3A_260 = vector.broadcast %jit3A_258 : i32 to vector<16xi32>
          %broadcast_in_dim3A_261 = vector.broadcast %jit3A_259 : i32 to vector<16xi32>
          %select_n3A_262 = arith.select %ge3A_257, %broadcast_in_dim3A_260, %broadcast_in_dim3A_261 : vector<16xi1>, vector<16xi32>
          %add3A_263 = arith.addi %add3A_247, %select_n3A_262 : vector<16xi32>
          scf.yield %add3A_263 : vector<16xi32>
        }
        %scan3A_57 = arith.constant 128 : i32
        %scan3A_58 = arith.constant 0 : i32
        %scan3A_59 = arith.constant 128 : i32
        %scan3A_60 = arith.addi %scan3A_58, %scan3A_59 : i32
        %scan3A_61 = arith.constant 8 : i32
        %scan3A_62 = scf.for %scan3A_137 = %scan3A_58 to %scan3A_60 step %scan3A_61 iter_args(%scan3A_138 = %scan3A_56) -> (vector<16xi32>)  : i32 {
          %mul3A_139 = arith.constant 16 : i32
          %mul3A_140 = arith.muli %scan3A_137, %mul3A_139 : i32
          %get3A_141 = arith.constant 5 : i32
          %get3A_142 = arith.index_cast %get3A_141 : i32 to index
          %get3A_143 = arith.index_cast %mul3A_140 : i32 to index
          %get3A_144 = tpu.vector_load %arg5[%get3A_142, %get3A_143] {strides = array<i32>} : memref<8x2048xi32, #tpu.memory_space<vmem>>, vector<1x16xi32>,
          %get3A_145 = vector.shape_cast %get3A_144 : vector<1x16xi32> to vector<16xi32>
          %ge3A_146 = arith.cmpi sge, %get3A_145, %add3A_25 : vector<16xi32>
          %jit3A = arith.constant 1 : i32
          %jit3A_147 = arith.constant 0 : i32
          %broadcast_in_dim3A_148 = vector.broadcast %jit3A : i32 to vector<16xi32>
          %broadcast_in_dim3A_149 = vector.broadcast %jit3A_147 : i32 to vector<16xi32>
          %select_n3A_150 = arith.select %ge3A_146, %broadcast_in_dim3A_148, %broadcast_in_dim3A_149 : vector<16xi1>, vector<16xi32>
          %add3A_151 = arith.addi %scan3A_138, %select_n3A_150 : vector<16xi32>
          %scan3A_152 = arith.constant 1 : i32
          %scan3A_153 = arith.addi %scan3A_137, %scan3A_152 : i32
          %mul3A_154 = arith.constant 16 : i32
          %mul3A_155 = arith.muli %scan3A_153, %mul3A_154 : i32
          %get3A_156 = arith.constant 5 : i32
          %get3A_157 = arith.index_cast %get3A_156 : i32 to index
          %get3A_158 = arith.index_cast %mul3A_155 : i32 to index
          %get3A_159 = tpu.vector_load %arg5[%get3A_157, %get3A_158] {strides = array<i32>} : memref<8x2048xi32, #tpu.memory_space<vmem>>, vector<1x16xi32>,
          %get3A_160 = vector.shape_cast %get3A_159 : vector<1x16xi32> to vector<16xi32>
          %ge3A_161 = arith.cmpi sge, %get3A_160, %add3A_25 : vector<16xi32>
          %jit3A_162 = arith.constant 1 : i32
          %jit3A_163 = arith.constant 0 : i32
          %broadcast_in_dim3A_164 = vector.broadcast %jit3A_162 : i32 to vector<16xi32>
          %broadcast_in_dim3A_165 = vector.broadcast %jit3A_163 : i32 to vector<16xi32>
          %select_n3A_166 = arith.select %ge3A_161, %broadcast_in_dim3A_164, %broadcast_in_dim3A_165 : vector<16xi1>, vector<16xi32>
          %add3A_167 = arith.addi %add3A_151, %select_n3A_166 : vector<16xi32>
          %scan3A_168 = arith.constant 2 : i32
          %scan3A_169 = arith.addi %scan3A_137, %scan3A_168 : i32
          %mul3A_170 = arith.constant 16 : i32
          %mul3A_171 = arith.muli %scan3A_169, %mul3A_170 : i32
          %get3A_172 = arith.constant 5 : i32
          %get3A_173 = arith.index_cast %get3A_172 : i32 to index
          %get3A_174 = arith.index_cast %mul3A_171 : i32 to index
          %get3A_175 = tpu.vector_load %arg5[%get3A_173, %get3A_174] {strides = array<i32>} : memref<8x2048xi32, #tpu.memory_space<vmem>>, vector<1x16xi32>,
          %get3A_176 = vector.shape_cast %get3A_175 : vector<1x16xi32> to vector<16xi32>
          %ge3A_177 = arith.cmpi sge, %get3A_176, %add3A_25 : vector<16xi32>
          %jit3A_178 = arith.constant 1 : i32
          %jit3A_179 = arith.constant 0 : i32
          %broadcast_in_dim3A_180 = vector.broadcast %jit3A_178 : i32 to vector<16xi32>
          %broadcast_in_dim3A_181 = vector.broadcast %jit3A_179 : i32 to vector<16xi32>
          %select_n3A_182 = arith.select %ge3A_177, %broadcast_in_dim3A_180, %broadcast_in_dim3A_181 : vector<16xi1>, vector<16xi32>
          %add3A_183 = arith.addi %add3A_167, %select_n3A_182 : vector<16xi32>
          %scan3A_184 = arith.constant 3 : i32
          %scan3A_185 = arith.addi %scan3A_137, %scan3A_184 : i32
          %mul3A_186 = arith.constant 16 : i32
          %mul3A_187 = arith.muli %scan3A_185, %mul3A_186 : i32
          %get3A_188 = arith.constant 5 : i32
          %get3A_189 = arith.index_cast %get3A_188 : i32 to index
          %get3A_190 = arith.index_cast %mul3A_187 : i32 to index
          %get3A_191 = tpu.vector_load %arg5[%get3A_189, %get3A_190] {strides = array<i32>} : memref<8x2048xi32, #tpu.memory_space<vmem>>, vector<1x16xi32>,
          %get3A_192 = vector.shape_cast %get3A_191 : vector<1x16xi32> to vector<16xi32>
          %ge3A_193 = arith.cmpi sge, %get3A_192, %add3A_25 : vector<16xi32>
          %jit3A_194 = arith.constant 1 : i32
          %jit3A_195 = arith.constant 0 : i32
          %broadcast_in_dim3A_196 = vector.broadcast %jit3A_194 : i32 to vector<16xi32>
          %broadcast_in_dim3A_197 = vector.broadcast %jit3A_195 : i32 to vector<16xi32>
          %select_n3A_198 = arith.select %ge3A_193, %broadcast_in_dim3A_196, %broadcast_in_dim3A_197 : vector<16xi1>, vector<16xi32>
          %add3A_199 = arith.addi %add3A_183, %select_n3A_198 : vector<16xi32>
          %scan3A_200 = arith.constant 4 : i32
          %scan3A_201 = arith.addi %scan3A_137, %scan3A_200 : i32
          %mul3A_202 = arith.constant 16 : i32
          %mul3A_203 = arith.muli %scan3A_201, %mul3A_202 : i32
          %get3A_204 = arith.constant 5 : i32
          %get3A_205 = arith.index_cast %get3A_204 : i32 to index
          %get3A_206 = arith.index_cast %mul3A_203 : i32 to index
          %get3A_207 = tpu.vector_load %arg5[%get3A_205, %get3A_206] {strides = array<i32>} : memref<8x2048xi32, #tpu.memory_space<vmem>>, vector<1x16xi32>,
          %get3A_208 = vector.shape_cast %get3A_207 : vector<1x16xi32> to vector<16xi32>
          %ge3A_209 = arith.cmpi sge, %get3A_208, %add3A_25 : vector<16xi32>
          %jit3A_210 = arith.constant 1 : i32
          %jit3A_211 = arith.constant 0 : i32
          %broadcast_in_dim3A_212 = vector.broadcast %jit3A_210 : i32 to vector<16xi32>
          %broadcast_in_dim3A_213 = vector.broadcast %jit3A_211 : i32 to vector<16xi32>
          %select_n3A_214 = arith.select %ge3A_209, %broadcast_in_dim3A_212, %broadcast_in_dim3A_213 : vector<16xi1>, vector<16xi32>
          %add3A_215 = arith.addi %add3A_199, %select_n3A_214 : vector<16xi32>
          %scan3A_216 = arith.constant 5 : i32
          %scan3A_217 = arith.addi %scan3A_137, %scan3A_216 : i32
          %mul3A_218 = arith.constant 16 : i32
          %mul3A_219 = arith.muli %scan3A_217, %mul3A_218 : i32
          %get3A_220 = arith.constant 5 : i32
          %get3A_221 = arith.index_cast %get3A_220 : i32 to index
          %get3A_222 = arith.index_cast %mul3A_219 : i32 to index
          %get3A_223 = tpu.vector_load %arg5[%get3A_221, %get3A_222] {strides = array<i32>} : memref<8x2048xi32, #tpu.memory_space<vmem>>, vector<1x16xi32>,
          %get3A_224 = vector.shape_cast %get3A_223 : vector<1x16xi32> to vector<16xi32>
          %ge3A_225 = arith.cmpi sge, %get3A_224, %add3A_25 : vector<16xi32>
          %jit3A_226 = arith.constant 1 : i32
          %jit3A_227 = arith.constant 0 : i32
          %broadcast_in_dim3A_228 = vector.broadcast %jit3A_226 : i32 to vector<16xi32>
          %broadcast_in_dim3A_229 = vector.broadcast %jit3A_227 : i32 to vector<16xi32>
          %select_n3A_230 = arith.select %ge3A_225, %broadcast_in_dim3A_228, %broadcast_in_dim3A_229 : vector<16xi1>, vector<16xi32>
          %add3A_231 = arith.addi %add3A_215, %select_n3A_230 : vector<16xi32>
          %scan3A_232 = arith.constant 6 : i32
          %scan3A_233 = arith.addi %scan3A_137, %scan3A_232 : i32
          %mul3A_234 = arith.constant 16 : i32
          %mul3A_235 = arith.muli %scan3A_233, %mul3A_234 : i32
          %get3A_236 = arith.constant 5 : i32
          %get3A_237 = arith.index_cast %get3A_236 : i32 to index
          %get3A_238 = arith.index_cast %mul3A_235 : i32 to index
          %get3A_239 = tpu.vector_load %arg5[%get3A_237, %get3A_238] {strides = array<i32>} : memref<8x2048xi32, #tpu.memory_space<vmem>>, vector<1x16xi32>,
          %get3A_240 = vector.shape_cast %get3A_239 : vector<1x16xi32> to vector<16xi32>
          %ge3A_241 = arith.cmpi sge, %get3A_240, %add3A_25 : vector<16xi32>
          %jit3A_242 = arith.constant 1 : i32
          %jit3A_243 = arith.constant 0 : i32
          %broadcast_in_dim3A_244 = vector.broadcast %jit3A_242 : i32 to vector<16xi32>
          %broadcast_in_dim3A_245 = vector.broadcast %jit3A_243 : i32 to vector<16xi32>
          %select_n3A_246 = arith.select %ge3A_241, %broadcast_in_dim3A_244, %broadcast_in_dim3A_245 : vector<16xi1>, vector<16xi32>
          %add3A_247 = arith.addi %add3A_231, %select_n3A_246 : vector<16xi32>
          %scan3A_248 = arith.constant 7 : i32
          %scan3A_249 = arith.addi %scan3A_137, %scan3A_248 : i32
          %mul3A_250 = arith.constant 16 : i32
          %mul3A_251 = arith.muli %scan3A_249, %mul3A_250 : i32
          %get3A_252 = arith.constant 5 : i32
          %get3A_253 = arith.index_cast %get3A_252 : i32 to index
          %get3A_254 = arith.index_cast %mul3A_251 : i32 to index
          %get3A_255 = tpu.vector_load %arg5[%get3A_253, %get3A_254] {strides = array<i32>} : memref<8x2048xi32, #tpu.memory_space<vmem>>, vector<1x16xi32>,
          %get3A_256 = vector.shape_cast %get3A_255 : vector<1x16xi32> to vector<16xi32>
          %ge3A_257 = arith.cmpi sge, %get3A_256, %add3A_25 : vector<16xi32>
          %jit3A_258 = arith.constant 1 : i32
          %jit3A_259 = arith.constant 0 : i32
          %broadcast_in_dim3A_260 = vector.broadcast %jit3A_258 : i32 to vector<16xi32>
          %broadcast_in_dim3A_261 = vector.broadcast %jit3A_259 : i32 to vector<16xi32>
          %select_n3A_262 = arith.select %ge3A_257, %broadcast_in_dim3A_260, %broadcast_in_dim3A_261 : vector<16xi1>, vector<16xi32>
          %add3A_263 = arith.addi %add3A_247, %select_n3A_262 : vector<16xi32>
          scf.yield %add3A_263 : vector<16xi32>
        }
        %scan3A_63 = arith.constant 128 : i32
        %scan3A_64 = arith.constant 0 : i32
        %scan3A_65 = arith.constant 128 : i32
        %scan3A_66 = arith.addi %scan3A_64, %scan3A_65 : i32
        %scan3A_67 = arith.constant 8 : i32
        %scan3A_68 = scf.for %scan3A_137 = %scan3A_64 to %scan3A_66 step %scan3A_67 iter_args(%scan3A_138 = %scan3A_62) -> (vector<16xi32>)  : i32 {
          %mul3A_139 = arith.constant 16 : i32
          %mul3A_140 = arith.muli %scan3A_137, %mul3A_139 : i32
          %get3A_141 = arith.constant 6 : i32
          %get3A_142 = arith.index_cast %get3A_141 : i32 to index
          %get3A_143 = arith.index_cast %mul3A_140 : i32 to index
          %get3A_144 = tpu.vector_load %arg5[%get3A_142, %get3A_143] {strides = array<i32>} : memref<8x2048xi32, #tpu.memory_space<vmem>>, vector<1x16xi32>,
          %get3A_145 = vector.shape_cast %get3A_144 : vector<1x16xi32> to vector<16xi32>
          %ge3A_146 = arith.cmpi sge, %get3A_145, %add3A_25 : vector<16xi32>
          %jit3A = arith.constant 1 : i32
          %jit3A_147 = arith.constant 0 : i32
          %broadcast_in_dim3A_148 = vector.broadcast %jit3A : i32 to vector<16xi32>
          %broadcast_in_dim3A_149 = vector.broadcast %jit3A_147 : i32 to vector<16xi32>
          %select_n3A_150 = arith.select %ge3A_146, %broadcast_in_dim3A_148, %broadcast_in_dim3A_149 : vector<16xi1>, vector<16xi32>
          %add3A_151 = arith.addi %scan3A_138, %select_n3A_150 : vector<16xi32>
          %scan3A_152 = arith.constant 1 : i32
          %scan3A_153 = arith.addi %scan3A_137, %scan3A_152 : i32
          %mul3A_154 = arith.constant 16 : i32
          %mul3A_155 = arith.muli %scan3A_153, %mul3A_154 : i32
          %get3A_156 = arith.constant 6 : i32
          %get3A_157 = arith.index_cast %get3A_156 : i32 to index
          %get3A_158 = arith.index_cast %mul3A_155 : i32 to index
          %get3A_159 = tpu.vector_load %arg5[%get3A_157, %get3A_158] {strides = array<i32>} : memref<8x2048xi32, #tpu.memory_space<vmem>>, vector<1x16xi32>,
          %get3A_160 = vector.shape_cast %get3A_159 : vector<1x16xi32> to vector<16xi32>
          %ge3A_161 = arith.cmpi sge, %get3A_160, %add3A_25 : vector<16xi32>
          %jit3A_162 = arith.constant 1 : i32
          %jit3A_163 = arith.constant 0 : i32
          %broadcast_in_dim3A_164 = vector.broadcast %jit3A_162 : i32 to vector<16xi32>
          %broadcast_in_dim3A_165 = vector.broadcast %jit3A_163 : i32 to vector<16xi32>
          %select_n3A_166 = arith.select %ge3A_161, %broadcast_in_dim3A_164, %broadcast_in_dim3A_165 : vector<16xi1>, vector<16xi32>
          %add3A_167 = arith.addi %add3A_151, %select_n3A_166 : vector<16xi32>
          %scan3A_168 = arith.constant 2 : i32
          %scan3A_169 = arith.addi %scan3A_137, %scan3A_168 : i32
          %mul3A_170 = arith.constant 16 : i32
          %mul3A_171 = arith.muli %scan3A_169, %mul3A_170 : i32
          %get3A_172 = arith.constant 6 : i32
          %get3A_173 = arith.index_cast %get3A_172 : i32 to index
          %get3A_174 = arith.index_cast %mul3A_171 : i32 to index
          %get3A_175 = tpu.vector_load %arg5[%get3A_173, %get3A_174] {strides = array<i32>} : memref<8x2048xi32, #tpu.memory_space<vmem>>, vector<1x16xi32>,
          %get3A_176 = vector.shape_cast %get3A_175 : vector<1x16xi32> to vector<16xi32>
          %ge3A_177 = arith.cmpi sge, %get3A_176, %add3A_25 : vector<16xi32>
          %jit3A_178 = arith.constant 1 : i32
          %jit3A_179 = arith.constant 0 : i32
          %broadcast_in_dim3A_180 = vector.broadcast %jit3A_178 : i32 to vector<16xi32>
          %broadcast_in_dim3A_181 = vector.broadcast %jit3A_179 : i32 to vector<16xi32>
          %select_n3A_182 = arith.select %ge3A_177, %broadcast_in_dim3A_180, %broadcast_in_dim3A_181 : vector<16xi1>, vector<16xi32>
          %add3A_183 = arith.addi %add3A_167, %select_n3A_182 : vector<16xi32>
          %scan3A_184 = arith.constant 3 : i32
          %scan3A_185 = arith.addi %scan3A_137, %scan3A_184 : i32
          %mul3A_186 = arith.constant 16 : i32
          %mul3A_187 = arith.muli %scan3A_185, %mul3A_186 : i32
          %get3A_188 = arith.constant 6 : i32
          %get3A_189 = arith.index_cast %get3A_188 : i32 to index
          %get3A_190 = arith.index_cast %mul3A_187 : i32 to index
          %get3A_191 = tpu.vector_load %arg5[%get3A_189, %get3A_190] {strides = array<i32>} : memref<8x2048xi32, #tpu.memory_space<vmem>>, vector<1x16xi32>,
          %get3A_192 = vector.shape_cast %get3A_191 : vector<1x16xi32> to vector<16xi32>
          %ge3A_193 = arith.cmpi sge, %get3A_192, %add3A_25 : vector<16xi32>
          %jit3A_194 = arith.constant 1 : i32
          %jit3A_195 = arith.constant 0 : i32
          %broadcast_in_dim3A_196 = vector.broadcast %jit3A_194 : i32 to vector<16xi32>
          %broadcast_in_dim3A_197 = vector.broadcast %jit3A_195 : i32 to vector<16xi32>
          %select_n3A_198 = arith.select %ge3A_193, %broadcast_in_dim3A_196, %broadcast_in_dim3A_197 : vector<16xi1>, vector<16xi32>
          %add3A_199 = arith.addi %add3A_183, %select_n3A_198 : vector<16xi32>
          %scan3A_200 = arith.constant 4 : i32
          %scan3A_201 = arith.addi %scan3A_137, %scan3A_200 : i32
          %mul3A_202 = arith.constant 16 : i32
          %mul3A_203 = arith.muli %scan3A_201, %mul3A_202 : i32
          %get3A_204 = arith.constant 6 : i32
          %get3A_205 = arith.index_cast %get3A_204 : i32 to index
          %get3A_206 = arith.index_cast %mul3A_203 : i32 to index
          %get3A_207 = tpu.vector_load %arg5[%get3A_205, %get3A_206] {strides = array<i32>} : memref<8x2048xi32, #tpu.memory_space<vmem>>, vector<1x16xi32>,
          %get3A_208 = vector.shape_cast %get3A_207 : vector<1x16xi32> to vector<16xi32>
          %ge3A_209 = arith.cmpi sge, %get3A_208, %add3A_25 : vector<16xi32>
          %jit3A_210 = arith.constant 1 : i32
          %jit3A_211 = arith.constant 0 : i32
          %broadcast_in_dim3A_212 = vector.broadcast %jit3A_210 : i32 to vector<16xi32>
          %broadcast_in_dim3A_213 = vector.broadcast %jit3A_211 : i32 to vector<16xi32>
          %select_n3A_214 = arith.select %ge3A_209, %broadcast_in_dim3A_212, %broadcast_in_dim3A_213 : vector<16xi1>, vector<16xi32>
          %add3A_215 = arith.addi %add3A_199, %select_n3A_214 : vector<16xi32>
          %scan3A_216 = arith.constant 5 : i32
          %scan3A_217 = arith.addi %scan3A_137, %scan3A_216 : i32
          %mul3A_218 = arith.constant 16 : i32
          %mul3A_219 = arith.muli %scan3A_217, %mul3A_218 : i32
          %get3A_220 = arith.constant 6 : i32
          %get3A_221 = arith.index_cast %get3A_220 : i32 to index
          %get3A_222 = arith.index_cast %mul3A_219 : i32 to index
          %get3A_223 = tpu.vector_load %arg5[%get3A_221, %get3A_222] {strides = array<i32>} : memref<8x2048xi32, #tpu.memory_space<vmem>>, vector<1x16xi32>,
          %get3A_224 = vector.shape_cast %get3A_223 : vector<1x16xi32> to vector<16xi32>
          %ge3A_225 = arith.cmpi sge, %get3A_224, %add3A_25 : vector<16xi32>
          %jit3A_226 = arith.constant 1 : i32
          %jit3A_227 = arith.constant 0 : i32
          %broadcast_in_dim3A_228 = vector.broadcast %jit3A_226 : i32 to vector<16xi32>
          %broadcast_in_dim3A_229 = vector.broadcast %jit3A_227 : i32 to vector<16xi32>
          %select_n3A_230 = arith.select %ge3A_225, %broadcast_in_dim3A_228, %broadcast_in_dim3A_229 : vector<16xi1>, vector<16xi32>
          %add3A_231 = arith.addi %add3A_215, %select_n3A_230 : vector<16xi32>
          %scan3A_232 = arith.constant 6 : i32
          %scan3A_233 = arith.addi %scan3A_137, %scan3A_232 : i32
          %mul3A_234 = arith.constant 16 : i32
          %mul3A_235 = arith.muli %scan3A_233, %mul3A_234 : i32
          %get3A_236 = arith.constant 6 : i32
          %get3A_237 = arith.index_cast %get3A_236 : i32 to index
          %get3A_238 = arith.index_cast %mul3A_235 : i32 to index
          %get3A_239 = tpu.vector_load %arg5[%get3A_237, %get3A_238] {strides = array<i32>} : memref<8x2048xi32, #tpu.memory_space<vmem>>, vector<1x16xi32>,
          %get3A_240 = vector.shape_cast %get3A_239 : vector<1x16xi32> to vector<16xi32>
          %ge3A_241 = arith.cmpi sge, %get3A_240, %add3A_25 : vector<16xi32>
          %jit3A_242 = arith.constant 1 : i32
          %jit3A_243 = arith.constant 0 : i32
          %broadcast_in_dim3A_244 = vector.broadcast %jit3A_242 : i32 to vector<16xi32>
          %broadcast_in_dim3A_245 = vector.broadcast %jit3A_243 : i32 to vector<16xi32>
          %select_n3A_246 = arith.select %ge3A_241, %broadcast_in_dim3A_244, %broadcast_in_dim3A_245 : vector<16xi1>, vector<16xi32>
          %add3A_247 = arith.addi %add3A_231, %select_n3A_246 : vector<16xi32>
          %scan3A_248 = arith.constant 7 : i32
          %scan3A_249 = arith.addi %scan3A_137, %scan3A_248 : i32
          %mul3A_250 = arith.constant 16 : i32
          %mul3A_251 = arith.muli %scan3A_249, %mul3A_250 : i32
          %get3A_252 = arith.constant 6 : i32
          %get3A_253 = arith.index_cast %get3A_252 : i32 to index
          %get3A_254 = arith.index_cast %mul3A_251 : i32 to index
          %get3A_255 = tpu.vector_load %arg5[%get3A_253, %get3A_254] {strides = array<i32>} : memref<8x2048xi32, #tpu.memory_space<vmem>>, vector<1x16xi32>,
          %get3A_256 = vector.shape_cast %get3A_255 : vector<1x16xi32> to vector<16xi32>
          %ge3A_257 = arith.cmpi sge, %get3A_256, %add3A_25 : vector<16xi32>
          %jit3A_258 = arith.constant 1 : i32
          %jit3A_259 = arith.constant 0 : i32
          %broadcast_in_dim3A_260 = vector.broadcast %jit3A_258 : i32 to vector<16xi32>
          %broadcast_in_dim3A_261 = vector.broadcast %jit3A_259 : i32 to vector<16xi32>
          %select_n3A_262 = arith.select %ge3A_257, %broadcast_in_dim3A_260, %broadcast_in_dim3A_261 : vector<16xi1>, vector<16xi32>
          %add3A_263 = arith.addi %add3A_247, %select_n3A_262 : vector<16xi32>
          scf.yield %add3A_263 : vector<16xi32>
        }
        %scan3A_69 = arith.constant 128 : i32
        %scan3A_70 = arith.constant 0 : i32
        %scan3A_71 = arith.constant 128 : i32
        %scan3A_72 = arith.addi %scan3A_70, %scan3A_71 : i32
        %scan3A_73 = arith.constant 8 : i32
        %scan3A_74 = scf.for %scan3A_137 = %scan3A_70 to %scan3A_72 step %scan3A_73 iter_args(%scan3A_138 = %scan3A_68) -> (vector<16xi32>)  : i32 {
          %mul3A_139 = arith.constant 16 : i32
          %mul3A_140 = arith.muli %scan3A_137, %mul3A_139 : i32
          %get3A_141 = arith.constant 7 : i32
          %get3A_142 = arith.index_cast %get3A_141 : i32 to index
          %get3A_143 = arith.index_cast %mul3A_140 : i32 to index
          %get3A_144 = tpu.vector_load %arg5[%get3A_142, %get3A_143] {strides = array<i32>} : memref<8x2048xi32, #tpu.memory_space<vmem>>, vector<1x16xi32>,
          %get3A_145 = vector.shape_cast %get3A_144 : vector<1x16xi32> to vector<16xi32>
          %ge3A_146 = arith.cmpi sge, %get3A_145, %add3A_25 : vector<16xi32>
          %jit3A = arith.constant 1 : i32
          %jit3A_147 = arith.constant 0 : i32
          %broadcast_in_dim3A_148 = vector.broadcast %jit3A : i32 to vector<16xi32>
          %broadcast_in_dim3A_149 = vector.broadcast %jit3A_147 : i32 to vector<16xi32>
          %select_n3A_150 = arith.select %ge3A_146, %broadcast_in_dim3A_148, %broadcast_in_dim3A_149 : vector<16xi1>, vector<16xi32>
          %add3A_151 = arith.addi %scan3A_138, %select_n3A_150 : vector<16xi32>
          %scan3A_152 = arith.constant 1 : i32
          %scan3A_153 = arith.addi %scan3A_137, %scan3A_152 : i32
          %mul3A_154 = arith.constant 16 : i32
          %mul3A_155 = arith.muli %scan3A_153, %mul3A_154 : i32
          %get3A_156 = arith.constant 7 : i32
          %get3A_157 = arith.index_cast %get3A_156 : i32 to index
          %get3A_158 = arith.index_cast %mul3A_155 : i32 to index
          %get3A_159 = tpu.vector_load %arg5[%get3A_157, %get3A_158] {strides = array<i32>} : memref<8x2048xi32, #tpu.memory_space<vmem>>, vector<1x16xi32>,
          %get3A_160 = vector.shape_cast %get3A_159 : vector<1x16xi32> to vector<16xi32>
          %ge3A_161 = arith.cmpi sge, %get3A_160, %add3A_25 : vector<16xi32>
          %jit3A_162 = arith.constant 1 : i32
          %jit3A_163 = arith.constant 0 : i32
          %broadcast_in_dim3A_164 = vector.broadcast %jit3A_162 : i32 to vector<16xi32>
          %broadcast_in_dim3A_165 = vector.broadcast %jit3A_163 : i32 to vector<16xi32>
          %select_n3A_166 = arith.select %ge3A_161, %broadcast_in_dim3A_164, %broadcast_in_dim3A_165 : vector<16xi1>, vector<16xi32>
          %add3A_167 = arith.addi %add3A_151, %select_n3A_166 : vector<16xi32>
          %scan3A_168 = arith.constant 2 : i32
          %scan3A_169 = arith.addi %scan3A_137, %scan3A_168 : i32
          %mul3A_170 = arith.constant 16 : i32
          %mul3A_171 = arith.muli %scan3A_169, %mul3A_170 : i32
          %get3A_172 = arith.constant 7 : i32
          %get3A_173 = arith.index_cast %get3A_172 : i32 to index
          %get3A_174 = arith.index_cast %mul3A_171 : i32 to index
          %get3A_175 = tpu.vector_load %arg5[%get3A_173, %get3A_174] {strides = array<i32>} : memref<8x2048xi32, #tpu.memory_space<vmem>>, vector<1x16xi32>,
          %get3A_176 = vector.shape_cast %get3A_175 : vector<1x16xi32> to vector<16xi32>
          %ge3A_177 = arith.cmpi sge, %get3A_176, %add3A_25 : vector<16xi32>
          %jit3A_178 = arith.constant 1 : i32
          %jit3A_179 = arith.constant 0 : i32
          %broadcast_in_dim3A_180 = vector.broadcast %jit3A_178 : i32 to vector<16xi32>
          %broadcast_in_dim3A_181 = vector.broadcast %jit3A_179 : i32 to vector<16xi32>
          %select_n3A_182 = arith.select %ge3A_177, %broadcast_in_dim3A_180, %broadcast_in_dim3A_181 : vector<16xi1>, vector<16xi32>
          %add3A_183 = arith.addi %add3A_167, %select_n3A_182 : vector<16xi32>
          %scan3A_184 = arith.constant 3 : i32
          %scan3A_185 = arith.addi %scan3A_137, %scan3A_184 : i32
          %mul3A_186 = arith.constant 16 : i32
          %mul3A_187 = arith.muli %scan3A_185, %mul3A_186 : i32
          %get3A_188 = arith.constant 7 : i32
          %get3A_189 = arith.index_cast %get3A_188 : i32 to index
          %get3A_190 = arith.index_cast %mul3A_187 : i32 to index
          %get3A_191 = tpu.vector_load %arg5[%get3A_189, %get3A_190] {strides = array<i32>} : memref<8x2048xi32, #tpu.memory_space<vmem>>, vector<1x16xi32>,
          %get3A_192 = vector.shape_cast %get3A_191 : vector<1x16xi32> to vector<16xi32>
          %ge3A_193 = arith.cmpi sge, %get3A_192, %add3A_25 : vector<16xi32>
          %jit3A_194 = arith.constant 1 : i32
          %jit3A_195 = arith.constant 0 : i32
          %broadcast_in_dim3A_196 = vector.broadcast %jit3A_194 : i32 to vector<16xi32>
          %broadcast_in_dim3A_197 = vector.broadcast %jit3A_195 : i32 to vector<16xi32>
          %select_n3A_198 = arith.select %ge3A_193, %broadcast_in_dim3A_196, %broadcast_in_dim3A_197 : vector<16xi1>, vector<16xi32>
          %add3A_199 = arith.addi %add3A_183, %select_n3A_198 : vector<16xi32>
          %scan3A_200 = arith.constant 4 : i32
          %scan3A_201 = arith.addi %scan3A_137, %scan3A_200 : i32
          %mul3A_202 = arith.constant 16 : i32
          %mul3A_203 = arith.muli %scan3A_201, %mul3A_202 : i32
          %get3A_204 = arith.constant 7 : i32
          %get3A_205 = arith.index_cast %get3A_204 : i32 to index
          %get3A_206 = arith.index_cast %mul3A_203 : i32 to index
          %get3A_207 = tpu.vector_load %arg5[%get3A_205, %get3A_206] {strides = array<i32>} : memref<8x2048xi32, #tpu.memory_space<vmem>>, vector<1x16xi32>,
          %get3A_208 = vector.shape_cast %get3A_207 : vector<1x16xi32> to vector<16xi32>
          %ge3A_209 = arith.cmpi sge, %get3A_208, %add3A_25 : vector<16xi32>
          %jit3A_210 = arith.constant 1 : i32
          %jit3A_211 = arith.constant 0 : i32
          %broadcast_in_dim3A_212 = vector.broadcast %jit3A_210 : i32 to vector<16xi32>
          %broadcast_in_dim3A_213 = vector.broadcast %jit3A_211 : i32 to vector<16xi32>
          %select_n3A_214 = arith.select %ge3A_209, %broadcast_in_dim3A_212, %broadcast_in_dim3A_213 : vector<16xi1>, vector<16xi32>
          %add3A_215 = arith.addi %add3A_199, %select_n3A_214 : vector<16xi32>
          %scan3A_216 = arith.constant 5 : i32
          %scan3A_217 = arith.addi %scan3A_137, %scan3A_216 : i32
          %mul3A_218 = arith.constant 16 : i32
          %mul3A_219 = arith.muli %scan3A_217, %mul3A_218 : i32
          %get3A_220 = arith.constant 7 : i32
          %get3A_221 = arith.index_cast %get3A_220 : i32 to index
          %get3A_222 = arith.index_cast %mul3A_219 : i32 to index
          %get3A_223 = tpu.vector_load %arg5[%get3A_221, %get3A_222] {strides = array<i32>} : memref<8x2048xi32, #tpu.memory_space<vmem>>, vector<1x16xi32>,
          %get3A_224 = vector.shape_cast %get3A_223 : vector<1x16xi32> to vector<16xi32>
          %ge3A_225 = arith.cmpi sge, %get3A_224, %add3A_25 : vector<16xi32>
          %jit3A_226 = arith.constant 1 : i32
          %jit3A_227 = arith.constant 0 : i32
          %broadcast_in_dim3A_228 = vector.broadcast %jit3A_226 : i32 to vector<16xi32>
          %broadcast_in_dim3A_229 = vector.broadcast %jit3A_227 : i32 to vector<16xi32>
          %select_n3A_230 = arith.select %ge3A_225, %broadcast_in_dim3A_228, %broadcast_in_dim3A_229 : vector<16xi1>, vector<16xi32>
          %add3A_231 = arith.addi %add3A_215, %select_n3A_230 : vector<16xi32>
          %scan3A_232 = arith.constant 6 : i32
          %scan3A_233 = arith.addi %scan3A_137, %scan3A_232 : i32
          %mul3A_234 = arith.constant 16 : i32
          %mul3A_235 = arith.muli %scan3A_233, %mul3A_234 : i32
          %get3A_236 = arith.constant 7 : i32
          %get3A_237 = arith.index_cast %get3A_236 : i32 to index
          %get3A_238 = arith.index_cast %mul3A_235 : i32 to index
          %get3A_239 = tpu.vector_load %arg5[%get3A_237, %get3A_238] {strides = array<i32>} : memref<8x2048xi32, #tpu.memory_space<vmem>>, vector<1x16xi32>,
          %get3A_240 = vector.shape_cast %get3A_239 : vector<1x16xi32> to vector<16xi32>
          %ge3A_241 = arith.cmpi sge, %get3A_240, %add3A_25 : vector<16xi32>
          %jit3A_242 = arith.constant 1 : i32
          %jit3A_243 = arith.constant 0 : i32
          %broadcast_in_dim3A_244 = vector.broadcast %jit3A_242 : i32 to vector<16xi32>
          %broadcast_in_dim3A_245 = vector.broadcast %jit3A_243 : i32 to vector<16xi32>
          %select_n3A_246 = arith.select %ge3A_241, %broadcast_in_dim3A_244, %broadcast_in_dim3A_245 : vector<16xi1>, vector<16xi32>
          %add3A_247 = arith.addi %add3A_231, %select_n3A_246 : vector<16xi32>
          %scan3A_248 = arith.constant 7 : i32
          %scan3A_249 = arith.addi %scan3A_137, %scan3A_248 : i32
          %mul3A_250 = arith.constant 16 : i32
          %mul3A_251 = arith.muli %scan3A_249, %mul3A_250 : i32
          %get3A_252 = arith.constant 7 : i32
          %get3A_253 = arith.index_cast %get3A_252 : i32 to index
          %get3A_254 = arith.index_cast %mul3A_251 : i32 to index
          %get3A_255 = tpu.vector_load %arg5[%get3A_253, %get3A_254] {strides = array<i32>} : memref<8x2048xi32, #tpu.memory_space<vmem>>, vector<1x16xi32>,
          %get3A_256 = vector.shape_cast %get3A_255 : vector<1x16xi32> to vector<16xi32>
          %ge3A_257 = arith.cmpi sge, %get3A_256, %add3A_25 : vector<16xi32>
          %jit3A_258 = arith.constant 1 : i32
          %jit3A_259 = arith.constant 0 : i32
          %broadcast_in_dim3A_260 = vector.broadcast %jit3A_258 : i32 to vector<16xi32>
          %broadcast_in_dim3A_261 = vector.broadcast %jit3A_259 : i32 to vector<16xi32>
          %select_n3A_262 = arith.select %ge3A_257, %broadcast_in_dim3A_260, %broadcast_in_dim3A_261 : vector<16xi1>, vector<16xi32>
          %add3A_263 = arith.addi %add3A_247, %select_n3A_262 : vector<16xi32>
          scf.yield %add3A_263 : vector<16xi32>
        }
        %scan3A_75 = arith.constant 128 : i32
        %iota3A = tpu.iota {dimensions = array<i32: 0>} : vector<16xi32>
        %xor3A = arith.constant 8 : i32
        %xor3A_76 = vector.broadcast %xor3A : i32 to vector<16xi32>
        %xor3A_77 = arith.xori %iota3A, %xor3A_76 : vector<16xi32>
        %lt3A_78 = arith.constant 0 : i32
        %lt3A_79 = vector.broadcast %lt3A_78 : i32 to vector<16xi32>
        %lt3A_80 = arith.cmpi slt, %xor3A_77, %lt3A_79 : vector<16xi32>
        %add3A_81 = arith.constant 16 : i32
        %add3A_82 = vector.broadcast %add3A_81 : i32 to vector<16xi32>
        %add3A_83 = arith.addi %xor3A_77, %add3A_82 : vector<16xi32>
        %select_n3A = arith.select %lt3A_80, %add3A_83, %xor3A_77 : vector<16xi1>, vector<16xi32>
        %broadcast_in_dim3A_84 = vector.shape_cast %select_n3A : vector<16xi32> to vector<16x1xi32>
        %gather3A = vector.shape_cast %broadcast_in_dim3A_84 : vector<16x1xi32> to vector<16xi32>
        %gather3A_85 = tpu.dynamic_gather %scan3A_74[%gather3A] in [0] : vector<16xi32>, vector<16xi32> -> vector<16xi32>
        %add3A_86 = arith.addi %scan3A_74, %gather3A_85 : vector<16xi32>
        %iota3A_87 = tpu.iota {dimensions = array<i32: 0>} : vector<16xi32>
        %xor3A_88 = arith.constant 4 : i32
        %xor3A_89 = vector.broadcast %xor3A_88 : i32 to vector<16xi32>
        %xor3A_90 = arith.xori %iota3A_87, %xor3A_89 : vector<16xi32>
        %lt3A_91 = arith.constant 0 : i32
        %lt3A_92 = vector.broadcast %lt3A_91 : i32 to vector<16xi32>
        %lt3A_93 = arith.cmpi slt, %xor3A_90, %lt3A_92 : vector<16xi32>
        %add3A_94 = arith.constant 16 : i32
        %add3A_95 = vector.broadcast %add3A_94 : i32 to vector<16xi32>
        %add3A_96 = arith.addi %xor3A_90, %add3A_95 : vector<16xi32>
        %select_n3A_97 = arith.select %lt3A_93, %add3A_96, %xor3A_90 : vector<16xi1>, vector<16xi32>
        %broadcast_in_dim3A_98 = vector.shape_cast %select_n3A_97 : vector<16xi32> to vector<16x1xi32>
        %gather3A_99 = vector.shape_cast %broadcast_in_dim3A_98 : vector<16x1xi32> to vector<16xi32>
        %gather3A_100 = tpu.dynamic_gather %add3A_86[%gather3A_99] in [0] : vector<16xi32>, vector<16xi32> -> vector<16xi32>
        %add3A_101 = arith.addi %add3A_86, %gather3A_100 : vector<16xi32>
        %iota3A_102 = tpu.iota {dimensions = array<i32: 0>} : vector<16xi32>
        %xor3A_103 = arith.constant 2 : i32
        %xor3A_104 = vector.broadcast %xor3A_103 : i32 to vector<16xi32>
        %xor3A_105 = arith.xori %iota3A_102, %xor3A_104 : vector<16xi32>
        %lt3A_106 = arith.constant 0 : i32
        %lt3A_107 = vector.broadcast %lt3A_106 : i32 to vector<16xi32>
        %lt3A_108 = arith.cmpi slt, %xor3A_105, %lt3A_107 : vector<16xi32>
        %add3A_109 = arith.constant 16 : i32
        %add3A_110 = vector.broadcast %add3A_109 : i32 to vector<16xi32>
        %add3A_111 = arith.addi %xor3A_105, %add3A_110 : vector<16xi32>
        %select_n3A_112 = arith.select %lt3A_108, %add3A_111, %xor3A_105 : vector<16xi1>, vector<16xi32>
        %broadcast_in_dim3A_113 = vector.shape_cast %select_n3A_112 : vector<16xi32> to vector<16x1xi32>
        %gather3A_114 = vector.shape_cast %broadcast_in_dim3A_113 : vector<16x1xi32> to vector<16xi32>
        %gather3A_115 = tpu.dynamic_gather %add3A_101[%gather3A_114] in [0] : vector<16xi32>, vector<16xi32> -> vector<16xi32>
        %add3A_116 = arith.addi %add3A_101, %gather3A_115 : vector<16xi32>
        %iota3A_117 = tpu.iota {dimensions = array<i32: 0>} : vector<16xi32>
        %xor3A_118 = arith.constant 1 : i32
        %xor3A_119 = vector.broadcast %xor3A_118 : i32 to vector<16xi32>
        %xor3A_120 = arith.xori %iota3A_117, %xor3A_119 : vector<16xi32>
        %lt3A_121 = arith.constant 0 : i32
        %lt3A_122 = vector.broadcast %lt3A_121 : i32 to vector<16xi32>
        %lt3A_123 = arith.cmpi slt, %xor3A_120, %lt3A_122 : vector<16xi32>
        %add3A_124 = arith.constant 16 : i32
        %add3A_125 = vector.broadcast %add3A_124 : i32 to vector<16xi32>
        %add3A_126 = arith.addi %xor3A_120, %add3A_125 : vector<16xi32>
        %select_n3A_127 = arith.select %lt3A_123, %add3A_126, %xor3A_120 : vector<16xi1>, vector<16xi32>
        %broadcast_in_dim3A_128 = vector.shape_cast %select_n3A_127 : vector<16xi32> to vector<16x1xi32>
        %gather3A_129 = vector.shape_cast %broadcast_in_dim3A_128 : vector<16x1xi32> to vector<16xi32>
        %gather3A_130 = tpu.dynamic_gather %add3A_116[%gather3A_129] in [0] : vector<16xi32>, vector<16xi32> -> vector<16xi32>
        %add3A_131 = arith.addi %add3A_116, %gather3A_130 : vector<16xi32>
        %ge3A = arith.cmpi sge, %add3A_131, %convert_element_type3A_5 : vector<16xi32>
        %select_n3A_132 = arith.select %ge3A, %add3A_25, %scan3A_18 : vector<16xi1>, vector<16xi32>
        %sub3A_133 = arith.constant 1 : i32
        %sub3A_134 = vector.broadcast %sub3A_133 : i32 to vector<16xi32>
        %sub3A_135 = arith.subi %add3A_25, %sub3A_134 : vector<16xi32>
        %select_n3A_136 = arith.select %ge3A, %scan3A_19, %sub3A_135 : vector<16xi1>, vector<16xi32>
        scf.yield %select_n3A_132, %select_n3A_136 : vector<16xi32>, vector<16xi32>
      }
      %scan3A_13 = arith.constant 31 : i32
      %swap3A = arith.constant 0 : index
      %swap3A_14 = tpu.vector_load %arg7[%swap3A] {strides = array<i32>} : memref<16xi32, #tpu.memory_space<vmem>>, vector<16xi32>,
      %swap3A_15 = vector.shape_cast %swap3A_14 : vector<16xi32> to vector<16xi32>
      %swap3A_16 = vector.shape_cast %scan3A_12#0 : vector<16xi32> to vector<16xi32>
      tpu.vector_store %arg7[%swap3A], %swap3A_16 {strides = array<i32>} : memref<16xi32, #tpu.memory_space<vmem>>, vector<16xi32>,
      "tpu.region"() ({
        %run_scoped3A = tpu.sem_alloc : memref<!tpu.dma_semaphore, #tpu.memory_space<semaphore_mem>>
        %dma_start3A = arith.constant 0 : i32
        %dma_start3A_17 = tpu.memref_slice %arg4[%add3A, %dma_start3A] : memref<16x16xi32, #tpu.memory_space<hbm>> -> memref<1x16xi32, #tpu.memory_space<hbm>>
        %dma_start3A_18 = tpu.memref_squeeze %dma_start3A_17 : memref<1x16xi32, #tpu.memory_space<hbm>> -> memref<16xi32, #tpu.memory_space<hbm>>
        %dma_start3A_19 = arith.constant 0 : i32
        %dma_start3A_20 = tpu.memref_slice %arg4[%add3A, %dma_start3A_19] : memref<16x16xi32, #tpu.memory_space<hbm>> -> memref<1x16xi32, #tpu.memory_space<hbm>>
        %dma_start3A_21 = tpu.memref_squeeze %dma_start3A_20 : memref<1x16xi32, #tpu.memory_space<hbm>> -> memref<16xi32, #tpu.memory_space<hbm>>
        tpu.enqueue_dma source(%arg7 : memref<16xi32, #tpu.memory_space<vmem>>) target(%dma_start3A_21 : memref<16xi32, #tpu.memory_space<hbm>>) target_semaphore(%run_scoped3A : memref<!tpu.dma_semaphore, #tpu.memory_space<semaphore_mem>>)
        %dma_wait3A = arith.constant 0 : i32
        %dma_wait3A_22 = tpu.memref_slice %arg4[%add3A, %dma_wait3A] : memref<16x16xi32, #tpu.memory_space<hbm>> -> memref<1x16xi32, #tpu.memory_space<hbm>>
        %dma_wait3A_23 = tpu.memref_squeeze %dma_wait3A_22 : memref<1x16xi32, #tpu.memory_space<hbm>> -> memref<16xi32, #tpu.memory_space<hbm>>
        %dma_wait3A_24 = arith.constant 0 : i32
        %dma_wait3A_25 = tpu.memref_slice %arg4[%add3A, %dma_wait3A_24] : memref<16x16xi32, #tpu.memory_space<hbm>> -> memref<1x16xi32, #tpu.memory_space<hbm>>
        %dma_wait3A_26 = tpu.memref_squeeze %dma_wait3A_25 : memref<1x16xi32, #tpu.memory_space<hbm>> -> memref<16xi32, #tpu.memory_space<hbm>>
        tpu.wait_dma2 semaphore(%run_scoped3A : memref<!tpu.dma_semaphore, #tpu.memory_space<semaphore_mem>>) src(%arg7 : memref<16xi32, #tpu.memory_space<vmem>>) dst(%dma_wait3A_26 : memref<16xi32, #tpu.memory_space<hbm>>)
        tpu.yield
      }) : () -> ()
    } else {
    }
    return
  }
}

module attributes {stable_mosaic.version = 14 : i64} {
  func.func @_match_body(%arg0: i32, %arg1: memref<1x64x4xf32, #tpu.memory_space<vmem>>, %arg2: memref<1x1x64xf32, #tpu.memory_space<vmem>>, %arg3: memref<16384x4xf32, #tpu.memory_space<vmem>>, %arg4: memref<1x16384x4xf32, #tpu.memory_space<vmem>>, %arg5: memref<1x8x2048xf32, #tpu.memory_space<vmem>>, %arg6: memref<1x1x128xf32, #tpu.memory_space<vmem>>, %arg7: memref<1x1x128xf32, #tpu.memory_space<vmem>>, %arg8: memref<8x2048xf32, #tpu.memory_space<vmem>>, %arg9: memref<8x2048xi32, #tpu.memory_space<vmem>>, %arg10: memref<4x16384xf32, #tpu.memory_space<vmem>>, %arg11: memref<5x16384xf32, #tpu.memory_space<vmem>>) attributes {dimension_semantics = [#tpu.dimension_semantics<arbitrary>], iteration_bounds = array<i64: 16>, scalar_prefetch = 0 : i64, scratch_operands = 4 : i64, tpu.core_type = #tpu.core_type<tc>, window_params = [{transform_indices = @transform_0, window_bounds = array<i64: 1, 64, 4>}, {transform_indices = @transform_1, window_bounds = array<i64: 1, 1, 64>}, {pipeline_mode = #tpu.pipeline_mode<synchronous>, transform_indices = @transform_2, window_bounds = array<i64: 16384, 4>}, {transform_indices = @transform_3, window_bounds = array<i64: 1, 16384, 4>}, {transform_indices = @transform_4, window_bounds = array<i64: 1, 8, 2048>}, {transform_indices = @transform_5, window_bounds = array<i64: 1, 1, 128>}, {transform_indices = @transform_6, window_bounds = array<i64: 1, 1, 128>}]} {
    %eq3A = arith.constant 0 : i32
    %eq3A_0 = arith.cmpi eq, %arg0, %eq3A : i32
    %convert_element_type3A = arith.extui %eq3A_0 : i1 to i32
    %cond3A = arith.constant 0 : i32
    %cond3A_1 = arith.cmpi ne, %convert_element_type3A, %cond3A : i32
    scf.if %cond3A_1 {
      %scan3A_52 = arith.constant 0 : i32
      %scan3A_53 = arith.constant 8 : i32
      %scan3A_54 = arith.addi %scan3A_52, %scan3A_53 : i32
      %scan3A_55 = arith.constant 1 : i32
      scf.for %scan3A_57 = %scan3A_52 to %scan3A_54 step %scan3A_55  : i32 {
        %mul3A_58 = arith.constant 2048 : i32
        %mul3A_59 = arith.muli %scan3A_57, %mul3A_58 : i32
        %get3A_60 = arith.index_cast %mul3A_59 : i32 to index
        %get3A_61 = arith.constant 0 : index
        %get3A_62 = vector.load %arg3[%get3A_60, %get3A_61] : memref<16384x4xf32, #tpu.memory_space<vmem>>, vector<2048x4xf32>
        %iota3A_63 = tpu.iota {dimensions = array<i32: 0>} : vector<4x4xi32>
        %iota3A_64 = tpu.iota {dimensions = array<i32: 1>} : vector<4x4xi32>
        %eq3A_65 = arith.cmpi eq, %iota3A_63, %iota3A_64 : vector<4x4xi32>
        %convert_element_type3A_66 = arith.extui %eq3A_65 : vector<4x4xi1> to vector<4x4xi32>
        %convert_element_type3A_67 = arith.sitofp %convert_element_type3A_66 : vector<4x4xi32> to vector<4x4xf32>
        %dot_general3A_68 = arith.constant dense<0.000000e+00> : vector<4x2048xf32>
        %dot_general3A_69 = tpu.matmul %convert_element_type3A_67, %get3A_62, %dot_general3A_68 {dimension_numbers = #tpu.dot_dimension_numbers<[1], [1], [0], [0], [0, 0, 1, 0], [], []>, transpose_lhs_hint = false} : vector<4x4xf32>, vector<2048x4xf32>, vector<4x2048xf32> -> vector<4x2048xf32>
        %mul3A_70 = arith.constant 2048 : i32
        %mul3A_71 = arith.muli %scan3A_57, %mul3A_70 : i32
        %swap3A_72 = arith.constant 0 : index
        %swap3A_73 = arith.index_cast %mul3A_71 : i32 to index
        %swap3A_74 = vector.load %arg10[%swap3A_72, %swap3A_73] : memref<4x16384xf32, #tpu.memory_space<vmem>>, vector<4x2048xf32>
        tpu.vector_store %arg10[%swap3A_72, %swap3A_73], %dot_general3A_69 {strides = array<i32>} : memref<4x16384xf32, #tpu.memory_space<vmem>>, vector<4x2048xf32>,
        %slice3A_75 = vector.extract_strided_slice %dot_general3A_69 {offsets = [0, 0], sizes = [1, 2048], strides = [1, 1]} : vector<4x2048xf32> to vector<1x2048xf32>
        %slice3A_76 = vector.extract_strided_slice %dot_general3A_69 {offsets = [1, 0], sizes = [1, 2048], strides = [1, 1]} : vector<4x2048xf32> to vector<1x2048xf32>
        %slice3A_77 = vector.extract_strided_slice %dot_general3A_69 {offsets = [2, 0], sizes = [1, 2048], strides = [1, 1]} : vector<4x2048xf32> to vector<1x2048xf32>
        %slice3A_78 = vector.extract_strided_slice %dot_general3A_69 {offsets = [3, 0], sizes = [1, 2048], strides = [1, 1]} : vector<4x2048xf32> to vector<1x2048xf32>
        %mul3A_79 = arith.constant 5.000000e-01 : f32
        %mul3A_80 = vector.broadcast %mul3A_79 : f32 to vector<1x2048xf32>
        %mul3A_81 = arith.mulf %slice3A_77, %mul3A_80 : vector<1x2048xf32>
        %sub3A_82 = arith.subf %slice3A_75, %mul3A_81 : vector<1x2048xf32>
        %mul3A_83 = arith.constant 5.000000e-01 : f32
        %mul3A_84 = vector.broadcast %mul3A_83 : f32 to vector<1x2048xf32>
        %mul3A_85 = arith.mulf %slice3A_78, %mul3A_84 : vector<1x2048xf32>
        %sub3A_86 = arith.subf %slice3A_76, %mul3A_85 : vector<1x2048xf32>
        %mul3A_87 = arith.constant 5.000000e-01 : f32
        %mul3A_88 = vector.broadcast %mul3A_87 : f32 to vector<1x2048xf32>
        %mul3A_89 = arith.mulf %slice3A_77, %mul3A_88 : vector<1x2048xf32>
        %add3A = arith.addf %slice3A_75, %mul3A_89 : vector<1x2048xf32>
        %mul3A_90 = arith.constant 5.000000e-01 : f32
        %mul3A_91 = vector.broadcast %mul3A_90 : f32 to vector<1x2048xf32>
        %mul3A_92 = arith.mulf %slice3A_78, %mul3A_91 : vector<1x2048xf32>
        %add3A_93 = arith.addf %slice3A_76, %mul3A_92 : vector<1x2048xf32>
        %sub3A_94 = arith.subf %add3A, %sub3A_82 : vector<1x2048xf32>
        %sub3A_95 = arith.subf %add3A_93, %sub3A_86 : vector<1x2048xf32>
        %mul3A_96 = arith.mulf %sub3A_94, %sub3A_95 : vector<1x2048xf32>
        %concatenate3A = tpu.concatenate %sub3A_82, %sub3A_86, %add3A, %add3A_93, %mul3A_96 in 0 : vector<1x2048xf32>, vector<1x2048xf32>, vector<1x2048xf32>, vector<1x2048xf32>, vector<1x2048xf32> -> vector<5x2048xf32>
        %mul3A_97 = arith.constant 2048 : i32
        %mul3A_98 = arith.muli %scan3A_57, %mul3A_97 : i32
        %swap3A_99 = arith.constant 0 : index
        %swap3A_100 = arith.index_cast %mul3A_98 : i32 to index
        %swap3A_101 = vector.load %arg11[%swap3A_99, %swap3A_100] : memref<5x16384xf32, #tpu.memory_space<vmem>>, vector<5x2048xf32>
        tpu.vector_store %arg11[%swap3A_99, %swap3A_100], %concatenate3A {strides = array<i32>} : memref<5x16384xf32, #tpu.memory_space<vmem>>, vector<5x2048xf32>,
      }
      %scan3A_56 = arith.constant 8 : i32
    } else {
    }
    %get3A = arith.constant 0 : index
    %get3A_2 = arith.constant 0 : index
    %get3A_3 = arith.constant 0 : index
    %get3A_4 = vector.load %arg1[%get3A, %get3A_2, %get3A_3] : memref<1x64x4xf32, #tpu.memory_space<vmem>>, vector<1x64x4xf32>
    %get3A_5 = vector.shape_cast %get3A_4 : vector<1x64x4xf32> to vector<64x4xf32>
    %iota3A = tpu.iota {dimensions = array<i32: 0>} : vector<4x4xi32>
    %iota3A_6 = tpu.iota {dimensions = array<i32: 1>} : vector<4x4xi32>
    %eq3A_7 = arith.cmpi eq, %iota3A, %iota3A_6 : vector<4x4xi32>
    %convert_element_type3A_8 = arith.extui %eq3A_7 : vector<4x4xi1> to vector<4x4xi32>
    %convert_element_type3A_9 = arith.sitofp %convert_element_type3A_8 : vector<4x4xi32> to vector<4x4xf32>
    %dot_general3A = arith.constant dense<0.000000e+00> : vector<4x64xf32>
    %dot_general3A_10 = tpu.matmul %convert_element_type3A_9, %get3A_5, %dot_general3A {dimension_numbers = #tpu.dot_dimension_numbers<[1], [1], [0], [0], [0, 0, 1, 0], [], []>, transpose_lhs_hint = false} : vector<4x4xf32>, vector<64x4xf32>, vector<4x64xf32> -> vector<4x64xf32>
    %get3A_11 = arith.constant 0 : index
    %get3A_12 = arith.constant 0 : index
    %get3A_13 = arith.constant 0 : index
    %get3A_14 = vector.load %arg2[%get3A_11, %get3A_12, %get3A_13] : memref<1x1x64xf32, #tpu.memory_space<vmem>>, vector<1x1x64xf32>
    %get3A_15 = vector.shape_cast %get3A_14 : vector<1x1x64xf32> to vector<1x64xf32>
    %reshape3A = vector.shape_cast %get3A_15 : vector<1x64xf32> to vector<64x1xf32>
    %gt3A = arith.constant 5.000000e-01 : f32
    %gt3A_16 = vector.broadcast %gt3A : f32 to vector<64x1xf32>
    %gt3A_17 = arith.cmpf ogt, %reshape3A, %gt3A_16 : vector<64x1xf32>
    %slice3A = vector.extract_strided_slice %get3A_5 {offsets = [0, 0], sizes = [64, 1], strides = [1, 1]} : vector<64x4xf32> to vector<64x1xf32>
    %slice3A_18 = vector.extract_strided_slice %get3A_5 {offsets = [0, 1], sizes = [64, 1], strides = [1, 1]} : vector<64x4xf32> to vector<64x1xf32>
    %slice3A_19 = vector.extract_strided_slice %get3A_5 {offsets = [0, 2], sizes = [64, 1], strides = [1, 1]} : vector<64x4xf32> to vector<64x1xf32>
    %slice3A_20 = vector.extract_strided_slice %get3A_5 {offsets = [0, 3], sizes = [64, 1], strides = [1, 1]} : vector<64x4xf32> to vector<64x1xf32>
    %sub3A = arith.subf %slice3A_19, %slice3A : vector<64x1xf32>
    %sub3A_21 = arith.subf %slice3A_20, %slice3A_18 : vector<64x1xf32>
    %mul3A = arith.mulf %sub3A, %sub3A_21 : vector<64x1xf32>
    %iota3A_22 = tpu.iota {dimensions = array<i32: 0>} : vector<64x2048xi32>
    %broadcast_in_dim3A = arith.constant 0xFF800000 : f32
    %broadcast_in_dim3A_23 = vector.broadcast %broadcast_in_dim3A : f32 to vector<64x1xf32>
    %broadcast_in_dim3A_24 = arith.constant 16384 : i32
    %broadcast_in_dim3A_25 = vector.broadcast %broadcast_in_dim3A_24 : i32 to vector<64x1xi32>
    %scan3A = arith.constant 0 : i32
    %scan3A_26 = arith.constant 8 : i32
    %scan3A_27 = arith.addi %scan3A, %scan3A_26 : i32
    %scan3A_28 = arith.constant 1 : i32
    %scan3A_29:2 = scf.for %scan3A_52 = %scan3A to %scan3A_27 step %scan3A_28 iter_args(%scan3A_53 = %broadcast_in_dim3A_23, %scan3A_54 = %broadcast_in_dim3A_25) -> (vector<64x1xf32>, vector<64x1xi32>)  : i32 {
      %mul3A_55 = arith.constant 2048 : i32
      %mul3A_56 = arith.muli %scan3A_52, %mul3A_55 : i32
      %get3A_57 = arith.index_cast %mul3A_56 : i32 to index
      %get3A_58 = arith.constant 0 : index
      %get3A_59 = vector.load %arg3[%get3A_57, %get3A_58] : memref<16384x4xf32, #tpu.memory_space<vmem>>, vector<2048x4xf32>
      %iota3A_60 = tpu.iota {dimensions = array<i32: 0>} : vector<4x4xi32>
      %iota3A_61 = tpu.iota {dimensions = array<i32: 1>} : vector<4x4xi32>
      %eq3A_62 = arith.cmpi eq, %iota3A_60, %iota3A_61 : vector<4x4xi32>
      %convert_element_type3A_63 = arith.extui %eq3A_62 : vector<4x4xi1> to vector<4x4xi32>
      %convert_element_type3A_64 = arith.sitofp %convert_element_type3A_63 : vector<4x4xi32> to vector<4x4xf32>
      %dot_general3A_65 = arith.constant dense<0.000000e+00> : vector<4x2048xf32>
      %dot_general3A_66 = tpu.matmul %convert_element_type3A_64, %get3A_59, %dot_general3A_65 {dimension_numbers = #tpu.dot_dimension_numbers<[1], [1], [0], [0], [0, 0, 1, 0], [], []>, transpose_lhs_hint = false} : vector<4x4xf32>, vector<2048x4xf32>, vector<4x2048xf32> -> vector<4x2048xf32>
      %slice3A_67 = vector.extract_strided_slice %dot_general3A_66 {offsets = [0, 0], sizes = [1, 2048], strides = [1, 1]} : vector<4x2048xf32> to vector<1x2048xf32>
      %slice3A_68 = vector.extract_strided_slice %dot_general3A_66 {offsets = [1, 0], sizes = [1, 2048], strides = [1, 1]} : vector<4x2048xf32> to vector<1x2048xf32>
      %slice3A_69 = vector.extract_strided_slice %dot_general3A_66 {offsets = [2, 0], sizes = [1, 2048], strides = [1, 1]} : vector<4x2048xf32> to vector<1x2048xf32>
      %slice3A_70 = vector.extract_strided_slice %dot_general3A_66 {offsets = [3, 0], sizes = [1, 2048], strides = [1, 1]} : vector<4x2048xf32> to vector<1x2048xf32>
      %mul3A_71 = arith.constant 5.000000e-01 : f32
      %mul3A_72 = vector.broadcast %mul3A_71 : f32 to vector<1x2048xf32>
      %mul3A_73 = arith.mulf %slice3A_69, %mul3A_72 : vector<1x2048xf32>
      %sub3A_74 = arith.subf %slice3A_67, %mul3A_73 : vector<1x2048xf32>
      %mul3A_75 = arith.constant 5.000000e-01 : f32
      %mul3A_76 = vector.broadcast %mul3A_75 : f32 to vector<1x2048xf32>
      %mul3A_77 = arith.mulf %slice3A_70, %mul3A_76 : vector<1x2048xf32>
      %sub3A_78 = arith.subf %slice3A_68, %mul3A_77 : vector<1x2048xf32>
      %mul3A_79 = arith.constant 5.000000e-01 : f32
      %mul3A_80 = vector.broadcast %mul3A_79 : f32 to vector<1x2048xf32>
      %mul3A_81 = arith.mulf %slice3A_69, %mul3A_80 : vector<1x2048xf32>
      %add3A = arith.addf %slice3A_67, %mul3A_81 : vector<1x2048xf32>
      %mul3A_82 = arith.constant 5.000000e-01 : f32
      %mul3A_83 = vector.broadcast %mul3A_82 : f32 to vector<1x2048xf32>
      %mul3A_84 = arith.mulf %slice3A_70, %mul3A_83 : vector<1x2048xf32>
      %add3A_85 = arith.addf %slice3A_68, %mul3A_84 : vector<1x2048xf32>
      %sub3A_86 = arith.subf %add3A, %sub3A_74 : vector<1x2048xf32>
      %sub3A_87 = arith.subf %add3A_85, %sub3A_78 : vector<1x2048xf32>
      %mul3A_88 = arith.mulf %sub3A_86, %sub3A_87 : vector<1x2048xf32>
      %min3A = vector.broadcast %slice3A_19 : vector<64x1xf32> to vector<64x2048xf32>
      %min3A_89 = vector.broadcast %add3A : vector<1x2048xf32> to vector<64x2048xf32>
      %min3A_90 = arith.minimumf %min3A, %min3A_89 : vector<64x2048xf32>
      %max3A = vector.broadcast %slice3A : vector<64x1xf32> to vector<64x2048xf32>
      %max3A_91 = vector.broadcast %sub3A_74 : vector<1x2048xf32> to vector<64x2048xf32>
      %max3A_92 = arith.maximumf %max3A, %max3A_91 : vector<64x2048xf32>
      %sub3A_93 = arith.subf %min3A_90, %max3A_92 : vector<64x2048xf32>
      %max3A_94 = arith.constant 0.000000e+00 : f32
      %max3A_95 = vector.broadcast %max3A_94 : f32 to vector<64x2048xf32>
      %max3A_96 = arith.maximumf %sub3A_93, %max3A_95 : vector<64x2048xf32>
      %min3A_97 = vector.broadcast %slice3A_20 : vector<64x1xf32> to vector<64x2048xf32>
      %min3A_98 = vector.broadcast %add3A_85 : vector<1x2048xf32> to vector<64x2048xf32>
      %min3A_99 = arith.minimumf %min3A_97, %min3A_98 : vector<64x2048xf32>
      %max3A_100 = vector.broadcast %slice3A_18 : vector<64x1xf32> to vector<64x2048xf32>
      %max3A_101 = vector.broadcast %sub3A_78 : vector<1x2048xf32> to vector<64x2048xf32>
      %max3A_102 = arith.maximumf %max3A_100, %max3A_101 : vector<64x2048xf32>
      %sub3A_103 = arith.subf %min3A_99, %max3A_102 : vector<64x2048xf32>
      %max3A_104 = arith.constant 0.000000e+00 : f32
      %max3A_105 = vector.broadcast %max3A_104 : f32 to vector<64x2048xf32>
      %max3A_106 = arith.maximumf %sub3A_103, %max3A_105 : vector<64x2048xf32>
      %mul3A_107 = arith.mulf %max3A_96, %max3A_106 : vector<64x2048xf32>
      %add3A_108 = vector.broadcast %mul3A : vector<64x1xf32> to vector<64x2048xf32>
      %add3A_109 = vector.broadcast %mul3A_88 : vector<1x2048xf32> to vector<64x2048xf32>
      %add3A_110 = arith.addf %add3A_108, %add3A_109 : vector<64x2048xf32>
      %sub3A_111 = arith.subf %add3A_110, %mul3A_107 : vector<64x2048xf32>
      %div3A = arith.divf %mul3A_107, %sub3A_111 : vector<64x2048xf32>
      %jit3A = arith.constant -1.000000e+00 : f32
      %broadcast_in_dim3A_112 = vector.shape_cast %gt3A_17 : vector<64x1xi1> to vector<64x1xi1>
      %broadcast_in_dim3A_113 = vector.broadcast %broadcast_in_dim3A_112 : vector<64x1xi1> to vector<64x2048xi1>
      %broadcast_in_dim3A_114 = vector.broadcast %jit3A : f32 to vector<64x2048xf32>
      %select_n3A = arith.select %broadcast_in_dim3A_113, %div3A, %broadcast_in_dim3A_114 : vector<64x2048xi1>, vector<64x2048xf32>
      %reduce_max3A = arith.constant dense<0xFF800000> : vector<2048xf32>
      %reduce_max3A_115 = vector.multi_reduction <maximumf>, %select_n3A, %reduce_max3A [0] : vector<64x2048xf32> to vector<2048xf32>
      %broadcast_in_dim3A_116 = vector.shape_cast %reduce_max3A_115 : vector<2048xf32> to vector<1x2048xf32>
      %eq3A_117 = vector.broadcast %broadcast_in_dim3A_116 : vector<1x2048xf32> to vector<64x2048xf32>
      %eq3A_118 = arith.cmpf oeq, %select_n3A, %eq3A_117 : vector<64x2048xf32>
      %jit3A_119 = arith.constant 64 : i32
      %broadcast_in_dim3A_120 = vector.broadcast %jit3A_119 : i32 to vector<64x2048xi32>
      %select_n3A_121 = arith.select %eq3A_118, %iota3A_22, %broadcast_in_dim3A_120 : vector<64x2048xi1>, vector<64x2048xi32>
      %reduce_min3A = arith.constant dense<2147483647> : vector<2048xi32>
      %reduce_min3A_122 = vector.multi_reduction <minsi>, %select_n3A_121, %reduce_min3A [0] : vector<64x2048xi32> to vector<2048xi32>
      %broadcast_in_dim3A_123 = vector.shape_cast %reduce_min3A_122 : vector<2048xi32> to vector<1x2048xi32>
      %swap3A_124 = arith.index_cast %scan3A_52 : i32 to index
      %swap3A_125 = arith.constant 0 : index
      %swap3A_126 = vector.load %arg8[%swap3A_124, %swap3A_125] : memref<8x2048xf32, #tpu.memory_space<vmem>>, vector<1x2048xf32>
      tpu.vector_store %arg8[%swap3A_124, %swap3A_125], %broadcast_in_dim3A_116 {strides = array<i32>} : memref<8x2048xf32, #tpu.memory_space<vmem>>, vector<1x2048xf32>,
      %swap3A_127 = arith.index_cast %scan3A_52 : i32 to index
      %swap3A_128 = arith.constant 0 : index
      %swap3A_129 = vector.load %arg9[%swap3A_127, %swap3A_128] : memref<8x2048xi32, #tpu.memory_space<vmem>>, vector<1x2048xi32>
      tpu.vector_store %arg9[%swap3A_127, %swap3A_128], %broadcast_in_dim3A_123 {strides = array<i32>} : memref<8x2048xi32, #tpu.memory_space<vmem>>, vector<1x2048xi32>,
      %reduce_max3A_130 = arith.constant dense<0xFF800000> : vector<64xf32>
      %reduce_max3A_131 = vector.multi_reduction <maximumf>, %select_n3A, %reduce_max3A_130 [1] : vector<64x2048xf32> to vector<64xf32>
      %broadcast_in_dim3A_132 = vector.shape_cast %reduce_max3A_131 : vector<64xf32> to vector<64x1xf32>
      %iota3A_133 = tpu.iota {dimensions = array<i32: 1>} : vector<64x2048xi32>
      %mul3A_134 = arith.constant 2048 : i32
      %mul3A_135 = arith.muli %scan3A_52, %mul3A_134 : i32
      %add3A_136 = vector.broadcast %mul3A_135 : i32 to vector<64x2048xi32>
      %add3A_137 = arith.addi %iota3A_133, %add3A_136 : vector<64x2048xi32>
      %eq3A_138 = vector.broadcast %broadcast_in_dim3A_132 : vector<64x1xf32> to vector<64x2048xf32>
      %eq3A_139 = arith.cmpf oeq, %select_n3A, %eq3A_138 : vector<64x2048xf32>
      %jit3A_140 = arith.constant 16384 : i32
      %broadcast_in_dim3A_141 = vector.broadcast %jit3A_140 : i32 to vector<64x2048xi32>
      %select_n3A_142 = arith.select %eq3A_139, %add3A_137, %broadcast_in_dim3A_141 : vector<64x2048xi1>, vector<64x2048xi32>
      %reduce_min3A_143 = arith.constant dense<2147483647> : vector<64xi32>
      %reduce_min3A_144 = vector.multi_reduction <minsi>, %select_n3A_142, %reduce_min3A_143 [1] : vector<64x2048xi32> to vector<64xi32>
      %broadcast_in_dim3A_145 = vector.shape_cast %reduce_min3A_144 : vector<64xi32> to vector<64x1xi32>
      %gt3A_146 = arith.cmpf ogt, %broadcast_in_dim3A_132, %scan3A_53 : vector<64x1xf32>
      %select_n3A_147 = arith.select %gt3A_146, %broadcast_in_dim3A_145, %scan3A_54 : vector<64x1xi1>, vector<64x1xi32>
      %max3A_148 = arith.maximumf %scan3A_53, %broadcast_in_dim3A_132 : vector<64x1xf32>
      scf.yield %max3A_148, %select_n3A_147 : vector<64x1xf32>, vector<64x1xi32>
    }
    %scan3A_30 = arith.constant 8 : i32
    %scan3A_31 = arith.constant 0.000000e+00 : f32
    %scan3A_32 = arith.constant 0.000000e+00 : f32
    %scan3A_33 = arith.constant 0 : i32
    %scan3A_34 = arith.constant 8 : i32
    %scan3A_35 = arith.addi %scan3A_33, %scan3A_34 : i32
    %scan3A_36 = arith.constant 1 : i32
    %scan3A_37:2 = scf.for %scan3A_52 = %scan3A_33 to %scan3A_35 step %scan3A_36 iter_args(%scan3A_53 = %scan3A_31, %scan3A_54 = %scan3A_32) -> (f32, f32)  : i32 {
      %get3A_55 = arith.index_cast %scan3A_52 : i32 to index
      %get3A_56 = arith.constant 0 : index
      %get3A_57 = vector.load %arg8[%get3A_55, %get3A_56] : memref<8x2048xf32, #tpu.memory_space<vmem>>, vector<1x2048xf32>
      %get3A_58 = arith.index_cast %scan3A_52 : i32 to index
      %get3A_59 = arith.constant 0 : index
      %get3A_60 = vector.load %arg9[%get3A_58, %get3A_59] : memref<8x2048xi32, #tpu.memory_space<vmem>>, vector<1x2048xi32>
      %iota3A_61 = tpu.iota {dimensions = array<i32: 1>} : vector<64x2048xi32>
      %mul3A_62 = arith.constant 2048 : i32
      %mul3A_63 = arith.muli %scan3A_52, %mul3A_62 : i32
      %add3A = vector.broadcast %mul3A_63 : i32 to vector<64x2048xi32>
      %add3A_64 = arith.addi %iota3A_61, %add3A : vector<64x2048xi32>
      %eq3A_65 = vector.broadcast %scan3A_29#1 : vector<64x1xi32> to vector<64x2048xi32>
      %eq3A_66 = arith.cmpi eq, %eq3A_65, %add3A_64 : vector<64x2048xi32>
      %and3A = vector.broadcast %gt3A_17 : vector<64x1xi1> to vector<64x2048xi1>
      %and3A_67 = arith.andi %eq3A_66, %and3A : vector<64x2048xi1>
      %jit3A = arith.constant -1 : i32
      %broadcast_in_dim3A_68 = vector.broadcast %jit3A : i32 to vector<64x2048xi32>
      %select_n3A = arith.select %and3A_67, %iota3A_22, %broadcast_in_dim3A_68 : vector<64x2048xi1>, vector<64x2048xi32>
      %reduce_max3A = arith.constant dense<-2147483648> : vector<2048xi32>
      %reduce_max3A_69 = vector.multi_reduction <maxsi>, %select_n3A, %reduce_max3A [0] : vector<64x2048xi32> to vector<2048xi32>
      %broadcast_in_dim3A_70 = vector.shape_cast %reduce_max3A_69 : vector<2048xi32> to vector<1x2048xi32>
      %ge3A = arith.constant 0 : i32
      %ge3A_71 = vector.broadcast %ge3A : i32 to vector<1x2048xi32>
      %ge3A_72 = arith.cmpi sge, %broadcast_in_dim3A_70, %ge3A_71 : vector<1x2048xi32>
      %select_n3A_73 = arith.select %ge3A_72, %broadcast_in_dim3A_70, %get3A_60 : vector<1x2048xi1>, vector<1x2048xi32>
      %jit3A_74 = arith.constant 2.000000e+00 : f32
      %broadcast_in_dim3A_75 = vector.broadcast %jit3A_74 : f32 to vector<1x2048xf32>
      %select_n3A_76 = arith.select %ge3A_72, %broadcast_in_dim3A_75, %get3A_57 : vector<1x2048xi1>, vector<1x2048xf32>
      %ge3A_77 = arith.constant 5.000000e-01 : f32
      %ge3A_78 = vector.broadcast %ge3A_77 : f32 to vector<1x2048xf32>
      %ge3A_79 = arith.cmpf oge, %select_n3A_76, %ge3A_78 : vector<1x2048xf32>
      %convert_element_type3A_80 = arith.extui %ge3A_79 : vector<1x2048xi1> to vector<1x2048xi32>
      %convert_element_type3A_81 = arith.sitofp %convert_element_type3A_80 : vector<1x2048xi32> to vector<1x2048xf32>
      %eq3A_82 = vector.broadcast %select_n3A_73 : vector<1x2048xi32> to vector<64x2048xi32>
      %eq3A_83 = arith.cmpi eq, %eq3A_82, %iota3A_22 : vector<64x2048xi32>
      %convert_element_type3A_84 = arith.extui %eq3A_83 : vector<64x2048xi1> to vector<64x2048xi32>
      %convert_element_type3A_85 = arith.sitofp %convert_element_type3A_84 : vector<64x2048xi32> to vector<64x2048xf32>
      %dot_general3A_86 = arith.constant dense<0.000000e+00> : vector<4x2048xf32>
      %dot_general3A_87 = tpu.matmul %dot_general3A_10, %convert_element_type3A_85, %dot_general3A_86 {dimension_numbers = #tpu.dot_dimension_numbers<[1], [0], [0], [1], [0, 0, 1, 1], [], []>, transpose_lhs_hint = false} : vector<4x64xf32>, vector<64x2048xf32>, vector<4x2048xf32> -> vector<4x2048xf32>
      %slice3A_88 = vector.extract_strided_slice %dot_general3A_87 {offsets = [0, 0], sizes = [1, 2048], strides = [1, 1]} : vector<4x2048xf32> to vector<1x2048xf32>
      %slice3A_89 = vector.extract_strided_slice %dot_general3A_87 {offsets = [1, 0], sizes = [1, 2048], strides = [1, 1]} : vector<4x2048xf32> to vector<1x2048xf32>
      %slice3A_90 = vector.extract_strided_slice %dot_general3A_87 {offsets = [2, 0], sizes = [1, 2048], strides = [1, 1]} : vector<4x2048xf32> to vector<1x2048xf32>
      %slice3A_91 = vector.extract_strided_slice %dot_general3A_87 {offsets = [3, 0], sizes = [1, 2048], strides = [1, 1]} : vector<4x2048xf32> to vector<1x2048xf32>
      %mul3A_92 = arith.constant 2048 : i32
      %mul3A_93 = arith.muli %scan3A_52, %mul3A_92 : i32
      %get3A_94 = arith.constant 0 : index
      %get3A_95 = arith.index_cast %mul3A_93 : i32 to index
      %get3A_96 = vector.load %arg10[%get3A_94, %get3A_95] : memref<4x16384xf32, #tpu.memory_space<vmem>>, vector<4x2048xf32>
      %slice3A_97 = vector.extract_strided_slice %get3A_96 {offsets = [0, 0], sizes = [1, 2048], strides = [1, 1]} : vector<4x2048xf32> to vector<1x2048xf32>
      %slice3A_98 = vector.extract_strided_slice %get3A_96 {offsets = [1, 0], sizes = [1, 2048], strides = [1, 1]} : vector<4x2048xf32> to vector<1x2048xf32>
      %slice3A_99 = vector.extract_strided_slice %get3A_96 {offsets = [2, 0], sizes = [1, 2048], strides = [1, 1]} : vector<4x2048xf32> to vector<1x2048xf32>
      %slice3A_100 = vector.extract_strided_slice %get3A_96 {offsets = [3, 0], sizes = [1, 2048], strides = [1, 1]} : vector<4x2048xf32> to vector<1x2048xf32>
      %add3A_101 = arith.addf %slice3A_88, %slice3A_90 : vector<1x2048xf32>
      %mul3A_102 = arith.constant 5.000000e-01 : f32
      %mul3A_103 = vector.broadcast %mul3A_102 : f32 to vector<1x2048xf32>
      %mul3A_104 = arith.mulf %add3A_101, %mul3A_103 : vector<1x2048xf32>
      %sub3A_105 = arith.subf %mul3A_104, %slice3A_97 : vector<1x2048xf32>
      %mul3A_106 = arith.constant 1.000000e-01 : f32
      %mul3A_107 = vector.broadcast %mul3A_106 : f32 to vector<1x2048xf32>
      %mul3A_108 = arith.mulf %mul3A_107, %slice3A_99 : vector<1x2048xf32>
      %div3A = arith.divf %sub3A_105, %mul3A_108 : vector<1x2048xf32>
      %add3A_109 = arith.addf %slice3A_89, %slice3A_91 : vector<1x2048xf32>
      %mul3A_110 = arith.constant 5.000000e-01 : f32
      %mul3A_111 = vector.broadcast %mul3A_110 : f32 to vector<1x2048xf32>
      %mul3A_112 = arith.mulf %add3A_109, %mul3A_111 : vector<1x2048xf32>
      %sub3A_113 = arith.subf %mul3A_112, %slice3A_98 : vector<1x2048xf32>
      %mul3A_114 = arith.constant 1.000000e-01 : f32
      %mul3A_115 = vector.broadcast %mul3A_114 : f32 to vector<1x2048xf32>
      %mul3A_116 = arith.mulf %mul3A_115, %slice3A_100 : vector<1x2048xf32>
      %div3A_117 = arith.divf %sub3A_113, %mul3A_116 : vector<1x2048xf32>
      %sub3A_118 = arith.subf %slice3A_90, %slice3A_88 : vector<1x2048xf32>
      %max3A = arith.constant 1.000000e-30 : f32
      %max3A_119 = vector.broadcast %max3A : f32 to vector<1x2048xf32>
      %max3A_120 = arith.maximumf %sub3A_118, %max3A_119 : vector<1x2048xf32>
      %div3A_121 = arith.divf %max3A_120, %slice3A_99 : vector<1x2048xf32>
      %log3A = math.log %div3A_121 : vector<1x2048xf32>
      %div3A_122 = arith.constant 2.000000e-01 : f32
      %div3A_123 = vector.broadcast %div3A_122 : f32 to vector<1x2048xf32>
      %div3A_124 = arith.divf %log3A, %div3A_123 : vector<1x2048xf32>
      %sub3A_125 = arith.subf %slice3A_91, %slice3A_89 : vector<1x2048xf32>
      %max3A_126 = arith.constant 1.000000e-30 : f32
      %max3A_127 = vector.broadcast %max3A_126 : f32 to vector<1x2048xf32>
      %max3A_128 = arith.maximumf %sub3A_125, %max3A_127 : vector<1x2048xf32>
      %div3A_129 = arith.divf %max3A_128, %slice3A_100 : vector<1x2048xf32>
      %log3A_130 = math.log %div3A_129 : vector<1x2048xf32>
      %div3A_131 = arith.constant 2.000000e-01 : f32
      %div3A_132 = vector.broadcast %div3A_131 : f32 to vector<1x2048xf32>
      %div3A_133 = arith.divf %log3A_130, %div3A_132 : vector<1x2048xf32>
      %mul3A_134 = arith.constant 2048 : i32
      %mul3A_135 = arith.muli %scan3A_52, %mul3A_134 : i32
      %get3A_136 = arith.constant 0 : index
      %get3A_137 = arith.index_cast %mul3A_135 : i32 to index
      %get3A_138 = arith.constant 0 : index
      %get3A_139 = vector.load %arg4[%get3A_136, %get3A_137, %get3A_138] : memref<1x16384x4xf32, #tpu.memory_space<vmem>>, vector<1x2048x4xf32>
      %get3A_140 = vector.shape_cast %get3A_139 : vector<1x2048x4xf32> to vector<2048x4xf32>
      %iota3A_141 = tpu.iota {dimensions = array<i32: 0>} : vector<4x4xi32>
      %iota3A_142 = tpu.iota {dimensions = array<i32: 1>} : vector<4x4xi32>
      %eq3A_143 = arith.cmpi eq, %iota3A_141, %iota3A_142 : vector<4x4xi32>
      %convert_element_type3A_144 = arith.extui %eq3A_143 : vector<4x4xi1> to vector<4x4xi32>
      %convert_element_type3A_145 = arith.sitofp %convert_element_type3A_144 : vector<4x4xi32> to vector<4x4xf32>
      %dot_general3A_146 = arith.constant dense<0.000000e+00> : vector<4x2048xf32>
      %dot_general3A_147 = tpu.matmul %convert_element_type3A_145, %get3A_140, %dot_general3A_146 {dimension_numbers = #tpu.dot_dimension_numbers<[1], [1], [0], [0], [0, 0, 1, 0], [], []>, transpose_lhs_hint = false} : vector<4x4xf32>, vector<2048x4xf32>, vector<4x2048xf32> -> vector<4x2048xf32>
      %broadcast_in_dim3A_148 = arith.constant 0.000000e+00 : f32
      %broadcast_in_dim3A_149 = vector.broadcast %broadcast_in_dim3A_148 : f32 to vector<1x2048xf32>
      %slice3A_150 = vector.extract_strided_slice %dot_general3A_147 {offsets = [0, 0], sizes = [1, 2048], strides = [1, 1]} : vector<4x2048xf32> to vector<1x2048xf32>
      %sub3A_151 = arith.subf %slice3A_150, %div3A : vector<1x2048xf32>
      %abs3A = math.absf %sub3A_151 : vector<1x2048xf32>
      %lt3A = arith.constant 1.000000e+00 : f32
      %lt3A_152 = vector.broadcast %lt3A : f32 to vector<1x2048xf32>
      %lt3A_153 = arith.cmpf olt, %abs3A, %lt3A_152 : vector<1x2048xf32>
      %mul3A_154 = arith.constant 5.000000e-01 : f32
      %mul3A_155 = vector.broadcast %mul3A_154 : f32 to vector<1x2048xf32>
      %mul3A_156 = arith.mulf %mul3A_155, %sub3A_151 : vector<1x2048xf32>
      %mul3A_157 = arith.mulf %mul3A_156, %sub3A_151 : vector<1x2048xf32>
      %sub3A_158 = arith.constant 5.000000e-01 : f32
      %sub3A_159 = vector.broadcast %sub3A_158 : f32 to vector<1x2048xf32>
      %sub3A_160 = arith.subf %abs3A, %sub3A_159 : vector<1x2048xf32>
      %select_n3A_161 = arith.select %lt3A_153, %mul3A_157, %sub3A_160 : vector<1x2048xi1>, vector<1x2048xf32>
      %add3A_162 = arith.addf %broadcast_in_dim3A_149, %select_n3A_161 : vector<1x2048xf32>
      %slice3A_163 = vector.extract_strided_slice %dot_general3A_147 {offsets = [1, 0], sizes = [1, 2048], strides = [1, 1]} : vector<4x2048xf32> to vector<1x2048xf32>
      %sub3A_164 = arith.subf %slice3A_163, %div3A_117 : vector<1x2048xf32>
      %abs3A_165 = math.absf %sub3A_164 : vector<1x2048xf32>
      %lt3A_166 = arith.constant 1.000000e+00 : f32
      %lt3A_167 = vector.broadcast %lt3A_166 : f32 to vector<1x2048xf32>
      %lt3A_168 = arith.cmpf olt, %abs3A_165, %lt3A_167 : vector<1x2048xf32>
      %mul3A_169 = arith.constant 5.000000e-01 : f32
      %mul3A_170 = vector.broadcast %mul3A_169 : f32 to vector<1x2048xf32>
      %mul3A_171 = arith.mulf %mul3A_170, %sub3A_164 : vector<1x2048xf32>
      %mul3A_172 = arith.mulf %mul3A_171, %sub3A_164 : vector<1x2048xf32>
      %sub3A_173 = arith.constant 5.000000e-01 : f32
      %sub3A_174 = vector.broadcast %sub3A_173 : f32 to vector<1x2048xf32>
      %sub3A_175 = arith.subf %abs3A_165, %sub3A_174 : vector<1x2048xf32>
      %select_n3A_176 = arith.select %lt3A_168, %mul3A_172, %sub3A_175 : vector<1x2048xi1>, vector<1x2048xf32>
      %add3A_177 = arith.addf %add3A_162, %select_n3A_176 : vector<1x2048xf32>
      %slice3A_178 = vector.extract_strided_slice %dot_general3A_147 {offsets = [2, 0], sizes = [1, 2048], strides = [1, 1]} : vector<4x2048xf32> to vector<1x2048xf32>
      %sub3A_179 = arith.subf %slice3A_178, %div3A_124 : vector<1x2048xf32>
      %abs3A_180 = math.absf %sub3A_179 : vector<1x2048xf32>
      %lt3A_181 = arith.constant 1.000000e+00 : f32
      %lt3A_182 = vector.broadcast %lt3A_181 : f32 to vector<1x2048xf32>
      %lt3A_183 = arith.cmpf olt, %abs3A_180, %lt3A_182 : vector<1x2048xf32>
      %mul3A_184 = arith.constant 5.000000e-01 : f32
      %mul3A_185 = vector.broadcast %mul3A_184 : f32 to vector<1x2048xf32>
      %mul3A_186 = arith.mulf %mul3A_185, %sub3A_179 : vector<1x2048xf32>
      %mul3A_187 = arith.mulf %mul3A_186, %sub3A_179 : vector<1x2048xf32>
      %sub3A_188 = arith.constant 5.000000e-01 : f32
      %sub3A_189 = vector.broadcast %sub3A_188 : f32 to vector<1x2048xf32>
      %sub3A_190 = arith.subf %abs3A_180, %sub3A_189 : vector<1x2048xf32>
      %select_n3A_191 = arith.select %lt3A_183, %mul3A_187, %sub3A_190 : vector<1x2048xi1>, vector<1x2048xf32>
      %add3A_192 = arith.addf %add3A_177, %select_n3A_191 : vector<1x2048xf32>
      %slice3A_193 = vector.extract_strided_slice %dot_general3A_147 {offsets = [3, 0], sizes = [1, 2048], strides = [1, 1]} : vector<4x2048xf32> to vector<1x2048xf32>
      %sub3A_194 = arith.subf %slice3A_193, %div3A_133 : vector<1x2048xf32>
      %abs3A_195 = math.absf %sub3A_194 : vector<1x2048xf32>
      %lt3A_196 = arith.constant 1.000000e+00 : f32
      %lt3A_197 = vector.broadcast %lt3A_196 : f32 to vector<1x2048xf32>
      %lt3A_198 = arith.cmpf olt, %abs3A_195, %lt3A_197 : vector<1x2048xf32>
      %mul3A_199 = arith.constant 5.000000e-01 : f32
      %mul3A_200 = vector.broadcast %mul3A_199 : f32 to vector<1x2048xf32>
      %mul3A_201 = arith.mulf %mul3A_200, %sub3A_194 : vector<1x2048xf32>
      %mul3A_202 = arith.mulf %mul3A_201, %sub3A_194 : vector<1x2048xf32>
      %sub3A_203 = arith.constant 5.000000e-01 : f32
      %sub3A_204 = vector.broadcast %sub3A_203 : f32 to vector<1x2048xf32>
      %sub3A_205 = arith.subf %abs3A_195, %sub3A_204 : vector<1x2048xf32>
      %select_n3A_206 = arith.select %lt3A_198, %mul3A_202, %sub3A_205 : vector<1x2048xi1>, vector<1x2048xf32>
      %add3A_207 = arith.addf %add3A_192, %select_n3A_206 : vector<1x2048xf32>
      %mul3A_208 = arith.mulf %add3A_207, %convert_element_type3A_81 : vector<1x2048xf32>
      %reduce_sum3A = vector.shape_cast %mul3A_208 : vector<1x2048xf32> to vector<1x1x2048xf32>
      %reduce_sum3A_209 = arith.constant dense<0.000000e+00> : vector<1xf32>
      %reduce_sum3A_210 = vector.multi_reduction <add>, %reduce_sum3A, %reduce_sum3A_209 [1, 2] : vector<1x1x2048xf32> to vector<1xf32>
      %reduce_sum3A_211 = vector.shape_cast %reduce_sum3A_210 : vector<1xf32> to vector<1x1x1xf32>
      %reduce_sum3A_212 = vector.extract %reduce_sum3A_211[0, 0, 0] : f32 from vector<1x1x1xf32>
      %add3A_213 = arith.addf %scan3A_53, %reduce_sum3A_212 : f32
      %reduce_sum3A_214 = vector.shape_cast %convert_element_type3A_81 : vector<1x2048xf32> to vector<1x1x2048xf32>
      %reduce_sum3A_215 = arith.constant dense<0.000000e+00> : vector<1xf32>
      %reduce_sum3A_216 = vector.multi_reduction <add>, %reduce_sum3A_214, %reduce_sum3A_215 [1, 2] : vector<1x1x2048xf32> to vector<1xf32>
      %reduce_sum3A_217 = vector.shape_cast %reduce_sum3A_216 : vector<1xf32> to vector<1x1x1xf32>
      %reduce_sum3A_218 = vector.extract %reduce_sum3A_217[0, 0, 0] : f32 from vector<1x1x1xf32>
      %add3A_219 = arith.addf %scan3A_54, %reduce_sum3A_218 : f32
      %swap3A_220 = arith.constant 0 : index
      %swap3A_221 = arith.index_cast %scan3A_52 : i32 to index
      %swap3A_222 = arith.constant 0 : index
      %swap3A_223 = vector.load %arg5[%swap3A_220, %swap3A_221, %swap3A_222] : memref<1x8x2048xf32, #tpu.memory_space<vmem>>, vector<1x1x2048xf32>
      %swap3A_224 = vector.shape_cast %swap3A_223 : vector<1x1x2048xf32> to vector<1x2048xf32>
      %swap3A_225 = vector.shape_cast %convert_element_type3A_81 : vector<1x2048xf32> to vector<1x1x2048xf32>
      tpu.vector_store %arg5[%swap3A_220, %swap3A_221, %swap3A_222], %swap3A_225 {strides = array<i32>} : memref<1x8x2048xf32, #tpu.memory_space<vmem>>, vector<1x1x2048xf32>,
      scf.yield %add3A_213, %add3A_219 : f32, f32
    }
    %scan3A_38 = arith.constant 8 : i32
    %broadcast_in_dim3A_39 = vector.broadcast %scan3A_37#0 : f32 to vector<128xf32>
    %swap3A = arith.constant 0 : index
    %swap3A_40 = arith.constant 0 : index
    %swap3A_41 = arith.constant 0 : index
    %swap3A_42 = vector.load %arg6[%swap3A, %swap3A_40, %swap3A_41] : memref<1x1x128xf32, #tpu.memory_space<vmem>>, vector<1x1x128xf32>
    %swap3A_43 = vector.shape_cast %swap3A_42 : vector<1x1x128xf32> to vector<128xf32>
    %swap3A_44 = vector.shape_cast %broadcast_in_dim3A_39 : vector<128xf32> to vector<1x1x128xf32>
    tpu.vector_store %arg6[%swap3A, %swap3A_40, %swap3A_41], %swap3A_44 {strides = array<i32>} : memref<1x1x128xf32, #tpu.memory_space<vmem>>, vector<1x1x128xf32>,
    %broadcast_in_dim3A_45 = vector.broadcast %scan3A_37#1 : f32 to vector<128xf32>
    %swap3A_46 = arith.constant 0 : index
    %swap3A_47 = arith.constant 0 : index
    %swap3A_48 = arith.constant 0 : index
    %swap3A_49 = vector.load %arg7[%swap3A_46, %swap3A_47, %swap3A_48] : memref<1x1x128xf32, #tpu.memory_space<vmem>>, vector<1x1x128xf32>
    %swap3A_50 = vector.shape_cast %swap3A_49 : vector<1x1x128xf32> to vector<128xf32>
    %swap3A_51 = vector.shape_cast %broadcast_in_dim3A_45 : vector<128xf32> to vector<1x1x128xf32>
    tpu.vector_store %arg7[%swap3A_46, %swap3A_47, %swap3A_48], %swap3A_51 {strides = array<i32>} : memref<1x1x128xf32, #tpu.memory_space<vmem>>, vector<1x1x128xf32>,
    return
  }
  func.func @transform_0(%arg0: i32) -> (i32, i32, i32) {
    %c0_i32 = arith.constant 0 : i32
    %c0_i32_0 = arith.constant 0 : i32
    %c0_i32_1 = arith.constant 0 : i32
    return %arg0, %c0_i32, %c0_i32_0 : i32, i32, i32
  }
  func.func @transform_1(%arg0: i32) -> (i32, i32, i32) {
    %c0_i32 = arith.constant 0 : i32
    %c0_i32_0 = arith.constant 0 : i32
    %c0_i32_1 = arith.constant 0 : i32
    return %arg0, %c0_i32, %c0_i32_0 : i32, i32, i32
  }
  func.func @transform_2(%arg0: i32) -> (i32, i32) {
    %c0_i32 = arith.constant 0 : i32
    %c0_i32_0 = arith.constant 0 : i32
    %c0_i32_1 = arith.constant 0 : i32
    return %c0_i32, %c0_i32_0 : i32, i32
  }
  func.func @transform_3(%arg0: i32) -> (i32, i32, i32) {
    %c0_i32 = arith.constant 0 : i32
    %c0_i32_0 = arith.constant 0 : i32
    %c0_i32_1 = arith.constant 0 : i32
    return %arg0, %c0_i32, %c0_i32_0 : i32, i32, i32
  }
  func.func @transform_4(%arg0: i32) -> (i32, i32, i32) {
    %c0_i32 = arith.constant 0 : i32
    %c0_i32_0 = arith.constant 0 : i32
    %c0_i32_1 = arith.constant 0 : i32
    return %arg0, %c0_i32, %c0_i32_0 : i32, i32, i32
  }
  func.func @transform_5(%arg0: i32) -> (i32, i32, i32) {
    %c0_i32 = arith.constant 0 : i32
    %c0_i32_0 = arith.constant 0 : i32
    %c0_i32_1 = arith.constant 0 : i32
    return %arg0, %c0_i32, %c0_i32_0 : i32, i32, i32
  }
  func.func @transform_6(%arg0: i32) -> (i32, i32, i32) {
    %c0_i32 = arith.constant 0 : i32
    %c0_i32_0 = arith.constant 0 : i32
    %c0_i32_1 = arith.constant 0 : i32
    return %arg0, %c0_i32, %c0_i32_0 : i32, i32, i32
  }
}

module attributes {stable_mosaic.version = 14 : i64} {
  func.func @_conf_body(%arg0: i32, %arg1: memref<1x2048x81xf32, #tpu.memory_space<vmem>>, %arg2: memref<1x8x2048xf32, #tpu.memory_space<vmem>>, %arg3: memref<1x8x2048xf32, #tpu.memory_space<vmem>>, %arg4: memref<1x8x2048xf32, #tpu.memory_space<vmem>>) attributes {dimension_semantics = [#tpu.dimension_semantics<arbitrary>], iteration_bounds = array<i64: 128>, scalar_prefetch = 0 : i64, scratch_operands = 0 : i64, tpu.core_type = #tpu.core_type<tc>, window_params = [{transform_indices = @transform_0, window_bounds = array<i64: 1, 2048, 81>}, {transform_indices = @transform_1, window_bounds = array<i64: 1, 8, 2048>}, {transform_indices = @transform_2, window_bounds = array<i64: 1, 8, 2048>}, {transform_indices = @transform_3, window_bounds = array<i64: 1, 8, 2048>}]} {
    %get3A = arith.constant 0 : index
    %get3A_0 = arith.constant 0 : index
    %get3A_1 = arith.constant 0 : index
    %get3A_2 = vector.load %arg1[%get3A, %get3A_0, %get3A_1] : memref<1x2048x81xf32, #tpu.memory_space<vmem>>, vector<1x2048x81xf32>
    %get3A_3 = vector.shape_cast %get3A_2 : vector<1x2048x81xf32> to vector<2048x81xf32>
    %reduce_max3A = arith.constant dense<0xFF800000> : vector<2048xf32>
    %reduce_max3A_4 = vector.multi_reduction <maximumf>, %get3A_3, %reduce_max3A [1] : vector<2048x81xf32> to vector<2048xf32>
    %broadcast_in_dim3A = vector.shape_cast %reduce_max3A_4 : vector<2048xf32> to vector<2048x1xf32>
    %sub3A = vector.broadcast %broadcast_in_dim3A : vector<2048x1xf32> to vector<2048x81xf32>
    %sub3A_5 = arith.subf %get3A_3, %sub3A : vector<2048x81xf32>
    %exp3A = math.exp %sub3A_5 : vector<2048x81xf32>
    %reduce_sum3A = arith.constant dense<0.000000e+00> : vector<2048xf32>
    %reduce_sum3A_6 = vector.multi_reduction <add>, %exp3A, %reduce_sum3A [1] : vector<2048x81xf32> to vector<2048xf32>
    %broadcast_in_dim3A_7 = vector.shape_cast %reduce_sum3A_6 : vector<2048xf32> to vector<2048x1xf32>
    %log3A = math.log %broadcast_in_dim3A_7 : vector<2048x1xf32>
    %add3A = arith.addf %log3A, %broadcast_in_dim3A : vector<2048x1xf32>
    %slice3A = vector.extract_strided_slice %get3A_3 {offsets = [0, 0], sizes = [2048, 2], strides = [1, 1]} : vector<2048x81xf32> to vector<2048x2xf32>
    %sub3A_8 = vector.broadcast %add3A : vector<2048x1xf32> to vector<2048x2xf32>
    %sub3A_9 = arith.subf %sub3A_8, %slice3A : vector<2048x2xf32>
    %iota3A = tpu.iota {dimensions = array<i32: 0>} : vector<2x2xi32>
    %iota3A_10 = tpu.iota {dimensions = array<i32: 1>} : vector<2x2xi32>
    %eq3A = arith.cmpi eq, %iota3A, %iota3A_10 : vector<2x2xi32>
    %convert_element_type3A = arith.extui %eq3A : vector<2x2xi1> to vector<2x2xi32>
    %convert_element_type3A_11 = arith.sitofp %convert_element_type3A : vector<2x2xi32> to vector<2x2xf32>
    %dot_general3A = arith.constant dense<0.000000e+00> : vector<2x2048xf32>
    %dot_general3A_12 = tpu.matmul %convert_element_type3A_11, %sub3A_9, %dot_general3A {dimension_numbers = #tpu.dot_dimension_numbers<[1], [1], [0], [0], [0, 0, 1, 0], [], []>, transpose_lhs_hint = false} : vector<2x2xf32>, vector<2048x2xf32>, vector<2x2048xf32> -> vector<2x2048xf32>
    %jit3A = arith.constant 8 : i32
    %eq3A_13 = arith.constant 0 : i32
    %eq3A_14 = arith.cmpi eq, %jit3A, %eq3A_13 : i32
    %jit3A_15 = arith.constant 1 : i32
    %select_n3A = arith.select %eq3A_14, %jit3A_15, %jit3A : i32
    %rem3A = arith.remsi %arg0, %select_n3A : i32
    %ne3A = arith.constant 0 : i32
    %ne3A_16 = arith.cmpi ne, %rem3A, %ne3A : i32
    %lt3A = arith.constant 0 : i32
    %lt3A_17 = arith.cmpi slt, %rem3A, %lt3A : i32
    %lt3A_18 = arith.constant 0 : i32
    %lt3A_19 = arith.cmpi slt, %select_n3A, %lt3A_18 : i32
    %ne3A_20 = arith.xori %lt3A_17, %lt3A_19 : i1
    %and3A = arith.andi %ne3A_20, %ne3A_16 : i1
    %add3A_21 = arith.addi %rem3A, %select_n3A : i32
    %select_n3A_22 = arith.select %and3A, %add3A_21, %rem3A : i32
    %get3A_23 = arith.constant 0 : index
    %get3A_24 = arith.index_cast %select_n3A_22 : i32 to index
    %get3A_25 = arith.constant 0 : index
    %get3A_26 = vector.load %arg2[%get3A_23, %get3A_24, %get3A_25] : memref<1x8x2048xf32, #tpu.memory_space<vmem>>, vector<1x1x2048xf32>
    %get3A_27 = vector.shape_cast %get3A_26 : vector<1x1x2048xf32> to vector<1x2048xf32>
    %gt3A = arith.constant 5.000000e-01 : f32
    %gt3A_28 = vector.broadcast %gt3A : f32 to vector<1x2048xf32>
    %gt3A_29 = arith.cmpf ogt, %get3A_27, %gt3A_28 : vector<1x2048xf32>
    %slice3A_30 = vector.extract_strided_slice %dot_general3A_12 {offsets = [0, 0], sizes = [1, 2048], strides = [1, 1]} : vector<2x2048xf32> to vector<1x2048xf32>
    %jit3A_31 = arith.constant 0.000000e+00 : f32
    %broadcast_in_dim3A_32 = vector.broadcast %jit3A_31 : f32 to vector<1x2048xf32>
    %select_n3A_33 = arith.select %gt3A_29, %broadcast_in_dim3A_32, %slice3A_30 : vector<1x2048xi1>, vector<1x2048xf32>
    %swap3A = arith.constant 0 : index
    %swap3A_34 = arith.index_cast %select_n3A_22 : i32 to index
    %swap3A_35 = arith.constant 0 : index
    %swap3A_36 = vector.load %arg3[%swap3A, %swap3A_34, %swap3A_35] : memref<1x8x2048xf32, #tpu.memory_space<vmem>>, vector<1x1x2048xf32>
    %swap3A_37 = vector.shape_cast %swap3A_36 : vector<1x1x2048xf32> to vector<1x2048xf32>
    %swap3A_38 = vector.shape_cast %select_n3A_33 : vector<1x2048xf32> to vector<1x1x2048xf32>
    tpu.vector_store %arg3[%swap3A, %swap3A_34, %swap3A_35], %swap3A_38 {strides = array<i32>} : memref<1x8x2048xf32, #tpu.memory_space<vmem>>, vector<1x1x2048xf32>,
    %slice3A_39 = vector.extract_strided_slice %dot_general3A_12 {offsets = [1, 0], sizes = [1, 2048], strides = [1, 1]} : vector<2x2048xf32> to vector<1x2048xf32>
    %swap3A_40 = arith.constant 0 : index
    %swap3A_41 = arith.index_cast %select_n3A_22 : i32 to index
    %swap3A_42 = arith.constant 0 : index
    %swap3A_43 = vector.load %arg4[%swap3A_40, %swap3A_41, %swap3A_42] : memref<1x8x2048xf32, #tpu.memory_space<vmem>>, vector<1x1x2048xf32>
    %swap3A_44 = vector.shape_cast %swap3A_43 : vector<1x1x2048xf32> to vector<1x2048xf32>
    %swap3A_45 = vector.shape_cast %slice3A_39 : vector<1x2048xf32> to vector<1x1x2048xf32>
    tpu.vector_store %arg4[%swap3A_40, %swap3A_41, %swap3A_42], %swap3A_45 {strides = array<i32>} : memref<1x8x2048xf32, #tpu.memory_space<vmem>>, vector<1x1x2048xf32>,
    return
  }
  func.func @transform_0(%arg0: i32) -> (i32, i32, i32) {
    %jit3A = arith.constant 8 : i32
    %div3A = arith.divsi %arg0, %jit3A : i32
    %sign3A = arith.constant 0 : i32
    %sign3A_0 = arith.cmpi sgt, %arg0, %sign3A : i32
    %sign3A_1 = arith.extui %sign3A_0 : i1 to i32
    %sign3A_2 = arith.constant 0 : i32
    %sign3A_3 = arith.cmpi slt, %arg0, %sign3A_2 : i32
    %sign3A_4 = arith.extui %sign3A_3 : i1 to i32
    %sign3A_5 = arith.subi %sign3A_1, %sign3A_4 : i32
    %sign3A_6 = arith.constant 0 : i32
    %sign3A_7 = arith.cmpi sgt, %jit3A, %sign3A_6 : i32
    %sign3A_8 = arith.extui %sign3A_7 : i1 to i32
    %sign3A_9 = arith.constant 0 : i32
    %sign3A_10 = arith.cmpi slt, %jit3A, %sign3A_9 : i32
    %sign3A_11 = arith.extui %sign3A_10 : i1 to i32
    %sign3A_12 = arith.subi %sign3A_8, %sign3A_11 : i32
    %ne3A = arith.cmpi ne, %sign3A_5, %sign3A_12 : i32
    %rem3A = arith.remsi %arg0, %jit3A : i32
    %ne3A_13 = arith.constant 0 : i32
    %ne3A_14 = arith.cmpi ne, %rem3A, %ne3A_13 : i32
    %and3A = arith.andi %ne3A, %ne3A_14 : i1
    %sub3A = arith.constant 1 : i32
    %sub3A_15 = arith.subi %div3A, %sub3A : i32
    %select_n3A = arith.select %and3A, %sub3A_15, %div3A : i32
    %jit3A_16 = arith.constant 8 : i32
    %eq3A = arith.constant 0 : i32
    %eq3A_17 = arith.cmpi eq, %jit3A_16, %eq3A : i32
    %jit3A_18 = arith.constant 1 : i32
    %select_n3A_19 = arith.select %eq3A_17, %jit3A_18, %jit3A_16 : i32
    %rem3A_20 = arith.remsi %arg0, %select_n3A_19 : i32
    %ne3A_21 = arith.constant 0 : i32
    %ne3A_22 = arith.cmpi ne, %rem3A_20, %ne3A_21 : i32
    %lt3A = arith.constant 0 : i32
    %lt3A_23 = arith.cmpi slt, %rem3A_20, %lt3A : i32
    %lt3A_24 = arith.constant 0 : i32
    %lt3A_25 = arith.cmpi slt, %select_n3A_19, %lt3A_24 : i32
    %ne3A_26 = arith.xori %lt3A_23, %lt3A_25 : i1
    %and3A_27 = arith.andi %ne3A_26, %ne3A_22 : i1
    %add3A = arith.addi %rem3A_20, %select_n3A_19 : i32
    %select_n3A_28 = arith.select %and3A_27, %add3A, %rem3A_20 : i32
    %c0_i32 = arith.constant 0 : i32
    %c0_i32_29 = arith.constant 0 : i32
    return %select_n3A, %select_n3A_28, %c0_i32 : i32, i32, i32
  }
  func.func @transform_1(%arg0: i32) -> (i32, i32, i32) {
    %jit3A = arith.constant 8 : i32
    %div3A = arith.divsi %arg0, %jit3A : i32
    %sign3A = arith.constant 0 : i32
    %sign3A_0 = arith.cmpi sgt, %arg0, %sign3A : i32
    %sign3A_1 = arith.extui %sign3A_0 : i1 to i32
    %sign3A_2 = arith.constant 0 : i32
    %sign3A_3 = arith.cmpi slt, %arg0, %sign3A_2 : i32
    %sign3A_4 = arith.extui %sign3A_3 : i1 to i32
    %sign3A_5 = arith.subi %sign3A_1, %sign3A_4 : i32
    %sign3A_6 = arith.constant 0 : i32
    %sign3A_7 = arith.cmpi sgt, %jit3A, %sign3A_6 : i32
    %sign3A_8 = arith.extui %sign3A_7 : i1 to i32
    %sign3A_9 = arith.constant 0 : i32
    %sign3A_10 = arith.cmpi slt, %jit3A, %sign3A_9 : i32
    %sign3A_11 = arith.extui %sign3A_10 : i1 to i32
    %sign3A_12 = arith.subi %sign3A_8, %sign3A_11 : i32
    %ne3A = arith.cmpi ne, %sign3A_5, %sign3A_12 : i32
    %rem3A = arith.remsi %arg0, %jit3A : i32
    %ne3A_13 = arith.constant 0 : i32
    %ne3A_14 = arith.cmpi ne, %rem3A, %ne3A_13 : i32
    %and3A = arith.andi %ne3A, %ne3A_14 : i1
    %sub3A = arith.constant 1 : i32
    %sub3A_15 = arith.subi %div3A, %sub3A : i32
    %select_n3A = arith.select %and3A, %sub3A_15, %div3A : i32
    %c0_i32 = arith.constant 0 : i32
    %c0_i32_16 = arith.constant 0 : i32
    %c0_i32_17 = arith.constant 0 : i32
    return %select_n3A, %c0_i32, %c0_i32_16 : i32, i32, i32
  }
  func.func @transform_2(%arg0: i32) -> (i32, i32, i32) {
    %jit3A = arith.constant 8 : i32
    %div3A = arith.divsi %arg0, %jit3A : i32
    %sign3A = arith.constant 0 : i32
    %sign3A_0 = arith.cmpi sgt, %arg0, %sign3A : i32
    %sign3A_1 = arith.extui %sign3A_0 : i1 to i32
    %sign3A_2 = arith.constant 0 : i32
    %sign3A_3 = arith.cmpi slt, %arg0, %sign3A_2 : i32
    %sign3A_4 = arith.extui %sign3A_3 : i1 to i32
    %sign3A_5 = arith.subi %sign3A_1, %sign3A_4 : i32
    %sign3A_6 = arith.constant 0 : i32
    %sign3A_7 = arith.cmpi sgt, %jit3A, %sign3A_6 : i32
    %sign3A_8 = arith.extui %sign3A_7 : i1 to i32
    %sign3A_9 = arith.constant 0 : i32
    %sign3A_10 = arith.cmpi slt, %jit3A, %sign3A_9 : i32
    %sign3A_11 = arith.extui %sign3A_10 : i1 to i32
    %sign3A_12 = arith.subi %sign3A_8, %sign3A_11 : i32
    %ne3A = arith.cmpi ne, %sign3A_5, %sign3A_12 : i32
    %rem3A = arith.remsi %arg0, %jit3A : i32
    %ne3A_13 = arith.constant 0 : i32
    %ne3A_14 = arith.cmpi ne, %rem3A, %ne3A_13 : i32
    %and3A = arith.andi %ne3A, %ne3A_14 : i1
    %sub3A = arith.constant 1 : i32
    %sub3A_15 = arith.subi %div3A, %sub3A : i32
    %select_n3A = arith.select %and3A, %sub3A_15, %div3A : i32
    %c0_i32 = arith.constant 0 : i32
    %c0_i32_16 = arith.constant 0 : i32
    %c0_i32_17 = arith.constant 0 : i32
    return %select_n3A, %c0_i32, %c0_i32_16 : i32, i32, i32
  }
  func.func @transform_3(%arg0: i32) -> (i32, i32, i32) {
    %jit3A = arith.constant 8 : i32
    %div3A = arith.divsi %arg0, %jit3A : i32
    %sign3A = arith.constant 0 : i32
    %sign3A_0 = arith.cmpi sgt, %arg0, %sign3A : i32
    %sign3A_1 = arith.extui %sign3A_0 : i1 to i32
    %sign3A_2 = arith.constant 0 : i32
    %sign3A_3 = arith.cmpi slt, %arg0, %sign3A_2 : i32
    %sign3A_4 = arith.extui %sign3A_3 : i1 to i32
    %sign3A_5 = arith.subi %sign3A_1, %sign3A_4 : i32
    %sign3A_6 = arith.constant 0 : i32
    %sign3A_7 = arith.cmpi sgt, %jit3A, %sign3A_6 : i32
    %sign3A_8 = arith.extui %sign3A_7 : i1 to i32
    %sign3A_9 = arith.constant 0 : i32
    %sign3A_10 = arith.cmpi slt, %jit3A, %sign3A_9 : i32
    %sign3A_11 = arith.extui %sign3A_10 : i1 to i32
    %sign3A_12 = arith.subi %sign3A_8, %sign3A_11 : i32
    %ne3A = arith.cmpi ne, %sign3A_5, %sign3A_12 : i32
    %rem3A = arith.remsi %arg0, %jit3A : i32
    %ne3A_13 = arith.constant 0 : i32
    %ne3A_14 = arith.cmpi ne, %rem3A, %ne3A_13 : i32
    %and3A = arith.andi %ne3A, %ne3A_14 : i1
    %sub3A = arith.constant 1 : i32
    %sub3A_15 = arith.subi %div3A, %sub3A : i32
    %select_n3A = arith.select %and3A, %sub3A_15, %div3A : i32
    %c0_i32 = arith.constant 0 : i32
    %c0_i32_16 = arith.constant 0 : i32
    %c0_i32_17 = arith.constant 0 : i32
    return %select_n3A, %c0_i32, %c0_i32_16 : i32, i32, i32
  }
}

module attributes {stable_mosaic.version = 14 : i64} {
  func.func @_select_body(%arg0: memref<16x8x2048xf32, #tpu.memory_space<vmem>>, %arg1: memref<16x8x2048xf32, #tpu.memory_space<vmem>>, %arg2: memref<16x8x2048xf32, #tpu.memory_space<vmem>>, %arg3: memref<16x1x128xf32, #tpu.memory_space<vmem>>, %arg4: memref<16x1x16xi32, #tpu.memory_space<vmem>>, %arg5: memref<2x1x128xf32, #tpu.memory_space<vmem>>) attributes {dimension_semantics = [], scalar_prefetch = 0 : i64, scratch_operands = 0 : i64, tpu.core_type = #tpu.core_type<tc>} {
    %get3A = arith.constant 0 : index
    %get3A_0 = arith.constant 0 : index
    %get3A_1 = arith.constant 0 : index
    %get3A_2 = vector.load %arg2[%get3A, %get3A_0, %get3A_1] : memref<16x8x2048xf32, #tpu.memory_space<vmem>>, vector<16x8x2048xf32>
    %gt3A = arith.constant 5.000000e-01 : f32
    %gt3A_3 = vector.broadcast %gt3A : f32 to vector<16x8x2048xf32>
    %gt3A_4 = arith.cmpf ogt, %get3A_2, %gt3A_3 : vector<16x8x2048xf32>
    %get3A_5 = arith.constant 0 : index
    %get3A_6 = arith.constant 0 : index
    %get3A_7 = arith.constant 0 : index
    %get3A_8 = vector.load %arg0[%get3A_5, %get3A_6, %get3A_7] : memref<16x8x2048xf32, #tpu.memory_space<vmem>>, vector<16x8x2048xf32>
    %get3A_9 = arith.constant 0 : index
    %get3A_10 = arith.constant 0 : index
    %get3A_11 = arith.constant 0 : index
    %get3A_12 = vector.load %arg1[%get3A_9, %get3A_10, %get3A_11] : memref<16x8x2048xf32, #tpu.memory_space<vmem>>, vector<16x8x2048xf32>
    %jit3A = arith.constant 0.000000e+00 : f32
    %broadcast_in_dim3A = vector.broadcast %jit3A : f32 to vector<16x8x2048xf32>
    %select_n3A = arith.select %gt3A_4, %get3A_12, %broadcast_in_dim3A : vector<16x8x2048xi1>, vector<16x8x2048xf32>
    %reduce_sum3A = vector.shape_cast %select_n3A : vector<16x8x2048xf32> to vector<1x16x8x2048xf32>
    %reduce_sum3A_13 = arith.constant dense<0.000000e+00> : vector<1xf32>
    %reduce_sum3A_14 = vector.multi_reduction <add>, %reduce_sum3A, %reduce_sum3A_13 [1, 2, 3] : vector<1x16x8x2048xf32> to vector<1xf32>
    %reduce_sum3A_15 = vector.shape_cast %reduce_sum3A_14 : vector<1xf32> to vector<1x1x1x1xf32>
    %reduce_sum3A_16 = vector.extract %reduce_sum3A_15[0, 0, 0, 0] : f32 from vector<1x1x1x1xf32>
    %reduce_sum3A_17 = arith.constant dense<0.000000e+00> : vector<16xf32>
    %reduce_sum3A_18 = vector.multi_reduction <add>, %get3A_2, %reduce_sum3A_17 [1, 2] : vector<16x8x2048xf32> to vector<16xf32>
    %broadcast_in_dim3A_19 = vector.shape_cast %reduce_sum3A_18 : vector<16xf32> to vector<16x1x1xf32>
    %mul3A = arith.constant 3.000000e+00 : f32
    %mul3A_20 = vector.broadcast %mul3A : f32 to vector<16x1x1xf32>
    %mul3A_21 = arith.mulf %mul3A_20, %broadcast_in_dim3A_19 : vector<16x1x1xf32>
    %min3A = arith.constant 1.638300e+04 : f32
    %min3A_22 = vector.broadcast %min3A : f32 to vector<16x1x1xf32>
    %min3A_23 = arith.minimumf %mul3A_21, %min3A_22 : vector<16x1x1xf32>
    %get3A_24 = arith.constant 0 : index
    %get3A_25 = arith.constant 0 : index
    %get3A_26 = arith.constant 0 : index
    %get3A_27 = vector.load %arg4[%get3A_24, %get3A_25, %get3A_26] : memref<16x1x16xi32, #tpu.memory_space<vmem>>, vector<16x1x1xi32>
    %get3A_28 = vector.shape_cast %get3A_27 : vector<16x1x1xi32> to vector<16x1xi32>
    %reshape3A = vector.shape_cast %get3A_28 : vector<16x1xi32> to vector<16x1x1xi32>
    %bitcast_convert_type3A = tpu.bitcast %reshape3A : vector<16x1x1xi32> -> vector<16x1x1xf32>
    %gt3A_29 = vector.broadcast %bitcast_convert_type3A : vector<16x1x1xf32> to vector<16x8x2048xf32>
    %gt3A_30 = arith.cmpf ogt, %get3A_8, %gt3A_29 : vector<16x8x2048xf32>
    %convert_element_type3A = arith.extui %gt3A_30 : vector<16x8x2048xi1> to vector<16x8x2048xi32>
    %convert_element_type3A_31 = arith.sitofp %convert_element_type3A : vector<16x8x2048xi32> to vector<16x8x2048xf32>
    %reduce_sum3A_32 = arith.constant dense<0.000000e+00> : vector<16xf32>
    %reduce_sum3A_33 = vector.multi_reduction <add>, %convert_element_type3A_31, %reduce_sum3A_32 [1, 2] : vector<16x8x2048xf32> to vector<16xf32>
    %broadcast_in_dim3A_34 = vector.shape_cast %reduce_sum3A_33 : vector<16xf32> to vector<16x1x1xf32>
    %jit3A_35 = arith.constant 0.000000e+00 : f32
    %broadcast_in_dim3A_36 = vector.broadcast %jit3A_35 : f32 to vector<16x8x2048xf32>
    %select_n3A_37 = arith.select %gt3A_30, %get3A_8, %broadcast_in_dim3A_36 : vector<16x8x2048xi1>, vector<16x8x2048xf32>
    %reduce_sum3A_38 = arith.constant dense<0.000000e+00> : vector<16xf32>
    %reduce_sum3A_39 = vector.multi_reduction <add>, %select_n3A_37, %reduce_sum3A_38 [1, 2] : vector<16x8x2048xf32> to vector<16xf32>
    %broadcast_in_dim3A_40 = vector.shape_cast %reduce_sum3A_39 : vector<16xf32> to vector<16x1x1xf32>
    %gt3A_41 = arith.constant 0.000000e+00 : f32
    %gt3A_42 = vector.broadcast %gt3A_41 : f32 to vector<16x1x1xf32>
    %gt3A_43 = arith.cmpf ogt, %bitcast_convert_type3A, %gt3A_42 : vector<16x1x1xf32>
    %sub3A = arith.subf %min3A_23, %broadcast_in_dim3A_34 : vector<16x1x1xf32>
    %mul3A_44 = arith.mulf %sub3A, %bitcast_convert_type3A : vector<16x1x1xf32>
    %jit3A_45 = arith.constant 0.000000e+00 : f32
    %broadcast_in_dim3A_46 = vector.broadcast %jit3A_45 : f32 to vector<16x1x1xf32>
    %select_n3A_47 = arith.select %gt3A_43, %mul3A_44, %broadcast_in_dim3A_46 : vector<16x1x1xi1>, vector<16x1x1xf32>
    %add3A = arith.addf %broadcast_in_dim3A_40, %select_n3A_47 : vector<16x1x1xf32>
    %reduce_sum3A_48 = vector.shape_cast %broadcast_in_dim3A_19 : vector<16x1x1xf32> to vector<1x16x1x1xf32>
    %reduce_sum3A_49 = arith.constant dense<0.000000e+00> : vector<1xf32>
    %reduce_sum3A_50 = vector.multi_reduction <add>, %reduce_sum3A_48, %reduce_sum3A_49 [1, 2, 3] : vector<1x16x1x1xf32> to vector<1xf32>
    %reduce_sum3A_51 = vector.shape_cast %reduce_sum3A_50 : vector<1xf32> to vector<1x1x1x1xf32>
    %reduce_sum3A_52 = vector.extract %reduce_sum3A_51[0, 0, 0, 0] : f32 from vector<1x1x1x1xf32>
    %max3A = arith.constant 1.000000e+00 : f32
    %max3A_53 = arith.maximumf %reduce_sum3A_52, %max3A : f32
    %get3A_54 = arith.constant 0 : index
    %get3A_55 = arith.constant 0 : index
    %get3A_56 = arith.constant 0 : index
    %get3A_57 = vector.load %arg3[%get3A_54, %get3A_55, %get3A_56] : memref<16x1x128xf32, #tpu.memory_space<vmem>>, vector<16x1x1xf32>
    %get3A_58 = vector.shape_cast %get3A_57 : vector<16x1x1xf32> to vector<16x1xf32>
    %reduce_sum3A_59 = vector.shape_cast %get3A_58 : vector<16x1xf32> to vector<1x16x1xf32>
    %reduce_sum3A_60 = arith.constant dense<0.000000e+00> : vector<1xf32>
    %reduce_sum3A_61 = vector.multi_reduction <add>, %reduce_sum3A_59, %reduce_sum3A_60 [1, 2] : vector<1x16x1xf32> to vector<1xf32>
    %reduce_sum3A_62 = vector.shape_cast %reduce_sum3A_61 : vector<1xf32> to vector<1x1x1xf32>
    %reduce_sum3A_63 = vector.extract %reduce_sum3A_62[0, 0, 0] : f32 from vector<1x1x1xf32>
    %div3A = arith.divf %reduce_sum3A_63, %max3A_53 : f32
    %reduce_sum3A_64 = vector.shape_cast %add3A : vector<16x1x1xf32> to vector<1x16x1x1xf32>
    %reduce_sum3A_65 = arith.constant dense<0.000000e+00> : vector<1xf32>
    %reduce_sum3A_66 = vector.multi_reduction <add>, %reduce_sum3A_64, %reduce_sum3A_65 [1, 2, 3] : vector<1x16x1x1xf32> to vector<1xf32>
    %reduce_sum3A_67 = vector.shape_cast %reduce_sum3A_66 : vector<1xf32> to vector<1x1x1x1xf32>
    %reduce_sum3A_68 = vector.extract %reduce_sum3A_67[0, 0, 0, 0] : f32 from vector<1x1x1x1xf32>
    %add3A_69 = arith.addf %reduce_sum3A_16, %reduce_sum3A_68 : f32
    %div3A_70 = arith.divf %add3A_69, %max3A_53 : f32
    %broadcast_in_dim3A_71 = vector.broadcast %div3A : f32 to vector<128xf32>
    %swap3A = arith.constant 0 : index
    %swap3A_72 = arith.constant 0 : index
    %swap3A_73 = arith.constant 0 : index
    %swap3A_74 = vector.load %arg5[%swap3A, %swap3A_72, %swap3A_73] : memref<2x1x128xf32, #tpu.memory_space<vmem>>, vector<1x1x128xf32>
    %swap3A_75 = vector.shape_cast %swap3A_74 : vector<1x1x128xf32> to vector<128xf32>
    %swap3A_76 = vector.shape_cast %broadcast_in_dim3A_71 : vector<128xf32> to vector<1x1x128xf32>
    tpu.vector_store %arg5[%swap3A, %swap3A_72, %swap3A_73], %swap3A_76 {strides = array<i32>} : memref<2x1x128xf32, #tpu.memory_space<vmem>>, vector<1x1x128xf32>,
    %broadcast_in_dim3A_77 = vector.broadcast %div3A_70 : f32 to vector<128xf32>
    %swap3A_78 = arith.constant 1 : index
    %swap3A_79 = arith.constant 0 : index
    %swap3A_80 = arith.constant 0 : index
    %swap3A_81 = vector.load %arg5[%swap3A_78, %swap3A_79, %swap3A_80] : memref<2x1x128xf32, #tpu.memory_space<vmem>>, vector<1x1x128xf32>
    %swap3A_82 = vector.shape_cast %swap3A_81 : vector<1x1x128xf32> to vector<128xf32>
    %swap3A_83 = vector.shape_cast %broadcast_in_dim3A_77 : vector<128xf32> to vector<1x1x128xf32>
    tpu.vector_store %arg5[%swap3A_78, %swap3A_79, %swap3A_80], %swap3A_83 {strides = array<i32>} : memref<2x1x128xf32, #tpu.memory_space<vmem>>, vector<1x1x128xf32>,
    return
  }
}

</mosaic_0001>

<sc_bundles>
// kernel: kernel.6.cloned.1.call-start
scs
__scs_entry_jumppad:
0x0: {  	(pc) =	sbr.rel $0x88, $3  }
0x1: {  	(tag) =	ssettag $0x0;
	lr =	simm.s32 $0x1  }
0x2: {  	[smem:$0x3F9B] =	sst lr;
	_ =	strace $0xD0000000  }
0x3: {  	_ = 	snop  }
0x4: {  	_ = 	snop  }
0x5: {  	_ = 	snop  }
0x6: {  	_ = 	snop  }
0x7: {  	_ = 	snop  }
__scs_overlays_trampoline_lowered:
0x8: {  	[smem:$0x3FAA] =	sst s0  }
0x9: {  	[smem:$0x3FAB] =	sst s1  }
0xa: {  	[smem:$0x3FAC] =	sst s2  }
0xb: {  	[smem:$0x3FAD] =	sst s3  }
0xc: {  	[smem:$0x3FAE] =	sst s4  }
0xd: {  	[smem:$0x3FAF] =	sst s5  }
0xe: {  	[smem:$0x3FB0] =	sst s6  }
0xf: {  	[smem:$0x3FB1] =	sst s7  }
0x10: {  	[smem:$0x3FB2] =	sst s8  }
0x11: {  	[smem:$0x3FB3] =	sst s9;
	s0 =	simm.s32 @!p0 $0x0  }
0x12: {  	s1 =	sld [smem:$0x3F99];
	s0 =	simm.s32 @p0 $0x1  }
0x13: {  	[smem:$0x3FB4] =	sst s0;
	s0 =	simm.s32 @!p1 $0x0  }
0x14: {  	s2 =	sld [smem:$0x3F98];
	s0 =	simm.s32 @p1 $0x1  }
0x15: {  	[smem:$0x3FB5] =	sst s0;
	s0 =	simm.s32 @!p2 $0x0  }
0x16: {  	s3 =	sld [smem:$0x3FDB];
	s0 =	simm.s32 @p2 $0x1  }
0x17: {  	s4 =	simm.s32 $0x1BF5;
	[smem:$0x3FB7] =	sst s0  }
0x18: {  	s0 =	sld [smem:$0x3F9A];
	_ =	swait.ge [sflag:s4], $0x0  }
0x19: {  	s7 =	sld [smem:$0x3F9B]  }
0x1a: {  	s8 =	sadd.s32 $0xFFFFE003, lr  }
0x1b: {  	s9 =	sadd.s32 $0xFFFFFEF7, lr;
	s5 =	simm.s32 $0xFFFFFFFF;
	p2 =	slt.u32 s8, $0xFFFFF086  }
0x1c: {  	p1 =	slt.u32 s9, $0xF7A;
	s5 =	simm.s32 @!p2 $0x0  }
0x1d: {  	s5 =	simm.s32 @p1 $0x1;
	p0 =	seq.s32 s7, s2  }
0x1e: {  	s7 =	smul.u32 @!p0 $0xF7A, s2;
	p2 =	seq.s32 @!p0 s5, $0x0  }
0x1f: {  	s9 =	smul.u32 $0xF7A, s1;
	s8 =	simm.s32 @!p0 $0x1BF5;
	p2 =	por !p2, p0  }
0x20: {  	[sflag:s8] =	ssyncset.s32 @!p0 $0xFFFFF086;
	s6 =	sadd.s32 @!p0 s3, s7;
	s7 =	simm.s32 @!p0 $0x108  }
0x21: {  	s3 =	sadd.s32 s3, s9;
	s6 =	sadd.s32 @!p0 $0x88, s6;
	s7 =	simm.s32 @p2 $0x1082  }
0x22: {  	[simem:s7], [sflag:s8] =	dma.local @!p0 [hbm:s6], $0xF7A  }
0x23: {  	s9 =	sor.u32 $0xD0000000, s2;
	s6 =	simm.s32 $0x108;
	_ =	swait.ge @!p0 [sflag:s8], $0x0  }
0x24: {  	s3 =	sadd.s32 $0x88, s3;
	s6 =	simm.s32 @!p1 $0x1082;
	[sflag:s4] =	ssyncset.s32 $0xFFFFF086  }
0x25: {  	[simem:s6], [sflag:s4] =	dma.local [hbm:s3], $0xF7A  }
0x26: {  	[smem:$0x3F9B] =	sst s1;
	(tag) =	ssettag s2;
	_ =	strace s9  }
0x27: {  	s1 =	sld [smem:$0x3FAB]  }
0x28: {  	s2 =	sld [smem:$0x3FAC]  }
0x29: {  	s4 =	sld [smem:$0x3FAE]  }
0x2a: {  	p0 =	seq.s32 s5, $0x0;
	s5 =	sld [smem:$0x3FAF]  }
0x2b: {  	s6 =	sld [smem:$0x3FB0]  }
0x2c: {  	s7 =	sld [smem:$0x3FB1]  }
0x2d: {  	s3 =	simm.s32 $0x108;
	s8 =	sld [smem:$0x3FB2]  }
0x2e: {  	s3 =	simm.s32 @!p0 $0x1082;
	s9 =	sld [smem:$0x3FB3]  }
0x2f: {  	lr =	sadd.s32 s0, s3;
	s0 =	sld [smem:$0x3FAA]  }
0x30: {  	s3 =	sld [smem:$0x3FAD]  }
0x31: {  	[smem:$0x3FB6] =	sst s10  }
0x32: {  	s10 =	sld [smem:$0x3FB4];
	_ =	sdelay $0x3  }
0x33: {  	p0 =	seq.s32 s10, $0x1;
	s10 =	sld [smem:$0x3FB6];
	_ =	sdelay $0x3  }
0x34: {  	[smem:$0x3FB6] =	sst s10  }
0x35: {  	s10 =	sld [smem:$0x3FB5];
	_ =	sdelay $0x3  }
0x36: {  	p1 =	seq.s32 s10, $0x1;
	s10 =	sld [smem:$0x3FB6];
	_ =	sdelay $0x3  }
0x37: {  	[smem:$0x3FB6] =	sst s10  }
0x38: {  	s10 =	sld [smem:$0x3FB7]  }
0x39: {  	_ = 	snop;
	(pc) =	sbr.ind lr, $3  }
0x3a: {  	_ = 	snop  }
0x3b: {  	_ = 	snop  }
0x3c: {  	p2 =	seq.s32 s10, $0x1;
	s10 =	sld [smem:$0x3FB6]  }
0x3d: {  	_ =	shalt  }
0x3e: {  	_ =	shalt  }
0x3f: {  	_ =	shalt  }
0x40: {  	_ =	shalt  }
0x41: {  	_ =	shalt  }
0x42: {  	_ =	shalt  }
0x43: {  	_ =	shalt  }
0x44: {  	_ =	shalt  }
0x45: {  	_ =	shalt  }
0x46: {  	_ =	shalt  }
0x47: {  	_ =	shalt  }
0x48: {  	_ =	shalt  }
0x49: {  	_ =	shalt  }
0x4a: {  	_ =	shalt  }
0x4b: {  	_ =	shalt  }
0x4c: {  	_ =	shalt  }
0x4d: {  	_ =	shalt  }
0x4e: {  	_ =	shalt  }
0x4f: {  	_ =	shalt  }
0x50: {  	_ =	shalt  }
0x51: {  	_ =	shalt  }
0x52: {  	_ =	shalt  }
0x53: {  	_ =	shalt  }
0x54: {  	_ =	shalt  }
0x55: {  	_ =	shalt  }
0x56: {  	_ =	shalt  }
0x57: {  	_ =	shalt  }
0x58: {  	_ =	shalt  }
0x59: {  	_ =	shalt  }
0x5a: {  	_ =	shalt  }
0x5b: {  	_ =	shalt  }
0x5c: {  	_ =	shalt  }
0x5d: {  	_ =	shalt  }
0x5e: {  	_ =	shalt  }
0x5f: {  	_ =	shalt  }
0x60: {  	_ =	shalt  }
0x61: {  	_ =	shalt  }
0x62: {  	_ =	shalt  }
0x63: {  	_ =	shalt  }
0x64: {  	_ =	shalt  }
0x65: {  	_ =	shalt  }
0x66: {  	_ =	shalt  }
0x67: {  	_ =	shalt  }
0x68: {  	_ =	shalt  }
0x69: {  	_ =	shalt  }
0x6a: {  	_ =	shalt  }
0x6b: {  	_ =	shalt  }
0x6c: {  	_ =	shalt  }
0x6d: {  	_ =	shalt  }
0x6e: {  	_ =	shalt  }
0x6f: {  	_ =	shalt  }
0x70: {  	_ =	shalt  }
0x71: {  	_ =	shalt  }
0x72: {  	_ =	shalt  }
0x73: {  	_ =	shalt  }
0x74: {  	_ =	shalt  }
0x75: {  	_ =	shalt  }
0x76: {  	_ =	shalt  }
0x77: {  	_ =	shalt  }
0x78: {  	_ =	shalt  }
0x79: {  	_ =	shalt  }
0x7a: {  	_ =	shalt  }
0x7b: {  	_ =	shalt  }
0x7c: {  	_ =	shalt  }
0x7d: {  	_ =	shalt  }
0x7e: {  	_ =	shalt  }
0x7f: {  	_ =	shalt  }
0x80: {  	_ =	shalt  }
0x81: {  	_ =	shalt  }
0x82: {  	_ =	shalt  }
0x83: {  	_ =	shalt  }
0x84: {  	_ =	shalt  }
0x85: {  	_ =	shalt  }
0x86: {  	_ =	shalt  }
0x87: {  	_ =	shalt  }
.Lfunc_end0:
.L_simem_size_0:
called_computation_lowered:
.L_overlay_start_0:
0x88: {  	s2 =	sld [smem:$0x3FD9]  }
0x89: {  	s3 =	sld [smem:$0x3FFE];
	_ =	sdelay $0x1  }
0x8a: {  	s1 =	srdreg.scid  }
0x8b: {  	s0 =	sand.u32 $0x1, s1  }
0x8c: {  	s16 =	sshll.u32 s0, $0xA;
	s2 =	sadd.s32 s3, s2  }
0x8d: {  	s2 =	sadd.s32 s2, s16  }
0x8e: {  	[smem:$0x3FC2] =	sst s2  }
0x8f: {  	_ = 	snop  }
0x90: {  	(tm) =	ssettm $0x1  }
0x91: {  	s17 =	sld [smem:$0x3FFB];
	_ =	sdelay $0x3  }
0x92: {  	_ =	strace s17  }
0x93: {  	s2 =	sld [smem:$0x3FFC];
	_ =	sdelay $0x3  }
0x94: {  	_ =	strace s2  }
0x95: {  	s2 =	sld [smem:$0x3FFD];
	_ =	sdelay $0x3  }
0x96: {  	_ =	strace s2  }
0x97: {  	_ =	strace $0x8FFFFFFF  }
0x98: {  	s18 =	sld [smem:$0x3FDB];
	_ =	sdelay $0x1  }
0x99: {  	s19 =	simm.s32 $_scs_section_size  }
0x9a: {  	s4 =	simm.s32 $_size__tile_overlayer_lowered;
	s5 =	simm.s32 $_tile_overlayer_lowered  }
0x9b: {  	s22 =	simm.s32 $0x1BFF;
	s21 =	sshll.u32 s5, $0x1;
	s2 =	sadd.s32 s19, s18  }
0x9c: {  	s6 =	simm.s32 $0x0;
	s20 =	sshll.u32 s4, $0x1;
	s4 =	sadd.s32 s21, s2  }
0x9d: {  	[timem:s6], [sflag:s22] =	dma.local [hbm:s4], s20  }
0x9e: {  	_ =	swait.ge [sflag:s22], s20  }
0x9f: {  	s3 =	ssub.s32 $0x0, s20;
	[sflag:s22] =	ssyncset.done $0x0  }
0xa0: {  	[sflag:s22] =	ssyncadd.s32 s3;
	_ =	sdelay $0x1  }
0xa1: {  	s23 =	simm.s32 $0x1B8B  }
0xa2: {  	_ =	swait.ge [sflag:s23], $0x1  }
0xa3: {  	[sflag:s23] =	ssyncset.done $0x0  }
0xa4: {  	s25 =	simm.s32 $0x1B8E;
	s24 =	sld [smem:$0x3FFE];
	[sflag:s23] =	ssyncadd.s32 $0xFFFFFFFF  }
0xa5: {  	s26 =	simm.s32 $execute0_lowered;
	[smem:$0x3FD2] =	sst s25  }
0xa6: {  	s4 =	sshll.u32 s26, $0x1;
	_ =	strace $0x80000046;
	[dreg:$0x1] =	wrdreg $0xFFFFFFFF  }
0xa7: {  	s28 =	simm.s32 $_size_execute0_lowered;
	s2 =	sadd.s32 s2, s4;
	[dreg:$0x0] =	wrdreg $0x0  }
0xa8: {  	s4 =	sshll.u32 s28, $0x1;
	[dreg:$0x2] =	wrdreg s2  }
0xa9: {  	[dreg:$0x3] =	wrdreg s4  }
0xaa: {  	[dreg:$0x4] =	wrdreg $0xC0  }
0xab: {  	_ =	task [dreg:s6], $0x5FFFF  }
0xac: {  	[dreg:$0x1] =	wrdreg $0xFFFFFFFF  }
0xad: {  	[dreg:$0x0] =	wrdreg $0x60  }
0xae: {  	[dreg:$0x2] =	wrdreg s24  }
0xaf: {  	[dreg:$0x3] =	wrdreg $0x9  }
0xb0: {  	_ =	task.clear_ibuf [dreg:s6], $0x4FFFF;
	_ =	strace $0x90000046  }
0xb1: {  	s29 =	simm.s32 $0x9;
	_ =	strace $0x80000048  }
0xb2: {  	_ =	swait.ge [sflag:s29], $0x1  }
0xb3: {  	[sflag:s29] =	ssyncadd.s32 $0xFFFFFFFF  }
0xb4: {  	_ =	strace $0x90000048  }
0xb5: {  	_ =	sfence  }
0xb6: {  	s30 =	sld [smem:$0x0];
	_ =	sdelay $0x2  }
0xb7: {  	s31 =	sshll.u32 s1, $0xD;
	s1 =	sshrl.u32 s1, $0x2  }
0xb8: {  	s3 =	sand.u32 $0x4000, s31;
	s1 =	sadd.s32 s1, s30  }
0xb9: {  	s0 =	sor.u32 s3, s0;
	s1 =	sshll.u32 s1, $0x11  }
0xba: {  	s0 =	sor.u32 s1, s0  }
0xbb: {  	s0 =	sadd.s32 $0x8F2B, s0  }
0xbc: {  	[sflag:s0] =	ssyncadd.remote.s32 $0x1  }
0xbd: {  	_ =	sfence.sel $0xFFFF  }
0xbe: {  	[dreg:$0x0] =	wrdreg $0xFFFFFFFF;
	(pc) =	sbr.abs _section_cstart, $3  }
0xbf: {  	[dreg:$0x1] =	wrdreg $0xFFFFFFFF  }
0xc0: {  	_ =	task.clear_ibuf [dreg:s6], $0x2FFFF;
	_ =	strace $0x9FFFFFFF  }
0xc1: {  	(tm) =	ssettm $0x7FFFFFFF  }
tec
execute0_lowered:
.L_overlay_start_1:
0x0: {  	(tag) =	ssettag $0x1  }
0x1: {  	s1 =	stileid.u32  }
0x2: {  	p0 =	sgt.u32 s1, $0x7  }
.Ltmp0:
0x3: {  	_ = 	snop;
	(pc) =	sbr.rel @p0 .LBB2_21-.Ltmp0, $4  }
0x4: {  	_ = 	snop  }
0x5: {  	s3 =	rddreg [dreg:$0x0];
	s2 =	simm.s32 $0x0  }
0x6: {  	[smem:$0x7FF] =	sst s2  }
0x7: {  	s0 =	rddreg [dreg:$0x1];
	_ =	strace $0x80000047  }
0x8: {  	v0 =	vimm.s32 $0xFEDCBA98  }
0x9: {  	v1 =	vimm.s32 $0x76543210;
	v2 =	vimm.s32 $0xBA98FEDC;
	v3 =	vimm.s32 $0x32107654  }
0xa: {  	v4 =	vimm.s32 $0xDCFE98BA;
	v5 =	vimm.s32 $0x54761032;
	v6 =	vimm.s32 $0xEFCDAB89  }
0xb: {  	v7 =	vimm.s32 $0x67452301;
	v0 =	vunpack.c.l.s4.s8 v0;
	v1 =	vunpack.c.l.s4.s8 v1  }
0xc: {  	s4 =	srdreg.scid;
	v2 =	vunpack.c.l.s4.s8 v2;
	v3 =	vunpack.c.l.s4.s8 v3;
	v4 =	vunpack.c.l.s4.s8 v4  }
0xd: {  	s5 =	sshll.u32 s1, $0x1;
	s8 =	sadd.s32 $0xA00, s3;
	s4 =	sand.u32 $0x1, s4;
	v5 =	vunpack.c.l.s4.s8 v5;
	v6 =	vunpack.c.l.s4.s8 v6;
	v7 =	vunpack.c.l.s4.s8 v7  }
0xe: {  	s10 =	simm.s32 $0x0;
	s5 =	sor.u32 s4, s5;
	s7 =	ssub.s32 $0x2, s4;
	v0 =	vunpack.c.0.s8.s32 v0;
	v1 =	vunpack.c.0.s8.s32 v1;
	v2 =	vunpack.c.0.s8.s32 v2  }
0xf: {  	s6 =	sshll.u32 s5, $0x4;
	s9 =	sshrl.u32 s7, $0x1;
	v3 =	vunpack.c.0.s8.s32 v3;
	v4 =	vunpack.c.0.s8.s32 v4;
	s5 =	sshll.u32 s5, $0xB;
	v5 =	vunpack.c.0.s8.s32 v5  }
0x10: {  	v6 =	vunpack.c.0.s8.s32 v6;
	v7 =	vunpack.c.0.s8.s32 v7;
	s6 =	sadd.s32 s6, s3;
	s31 =	ssub.s32 s7, s9;
	s5 =	sadd.s32 s8, s5;
	v0 =	vand.u32 $0xF, v0  }
0x11: {  	s7 =	simm.s32 $0x1;
	s8 =	simm.s32 $0x4000;
	s9 =	simm.s32 $0x4080;
	v0 =	vcombine.low v0, v1;
	v1 =	vcombine.low v3, v2  }
0x12: {  	s3 =	sadd.s32 $0x8A00, s6;
	s4 =	sadd.s32 $0x8C00, s6;
	s6 =	smax.u32 s31, $0x1;
	v2 =	vcombine.low v5, v4;
	v3 =	vimm.s32 $0x0;
	v4 =	vcombine.low v7, v6  }
.LBB2_2:
0x13: {  	s11 =	simm.s32 $0x0  }
0x14: {  	[tilespmem:s11], [sflag:$0x1] =	stream.linear.gather [hbm4b:s5+s11], $0x4000, $0x38;
	[tilespmem:$0x4100] =	vst v63  }
0x15: {  	_ =	swait.ge [sflag:s7], $0x4000  }
0x16: {  	[sflag:s7] =	ssyncset.done $0x0  }
0x17: {  	[sflag:s7] =	ssyncadd.s32 $0xFFFFC000  }
0x18: {  	[tilespmem:s8], [sflag:$0x1] =	stream.linear.gather [hbm4b:s3+s11], $0x80, $0x38;
	[tilespmem:$0x4100] =	vst v63  }
0x19: {  	_ =	swait.ge [sflag:s7], $0x80  }
0x1a: {  	[sflag:s7] =	ssyncset.done $0x0  }
0x1b: {  	[sflag:s7] =	ssyncadd.s32 $0xFFFFFF80  }
0x1c: {  	v5 =	vld [tilespmem:$0x4000];
	_ =	sdelay $0x4  }
0x1d: {  	v5 =	vtrunc.f32 v5  }
0x1e: {  	v7 =	vimm.s32 $0x7F800000;
	v6 =	vimm.s32 $0x0;
	v5 =	vcvt.f32.s32 v5  }
.LBB2_3:
0x1f: {  	s13 =	simm.s32 $0x40  }
0x20: {  	v9 =	vld [tilespmem:s13+$0xFFFFFFC0]  }
0x21: {  	v8 =	vsub.s32 v7, v6;
	v11 =	vld [tilespmem:s13+$0xFFFFFFD0]  }
0x22: {  	v8 =	vadd.s32 $0x1, v8;
	v13 =	vld [tilespmem:s13+$0xFFFFFFE0]  }
0x23: {  	v12 =	vld [tilespmem:s13+$0xFFFFFFF0];
	v8 =	vshra.s32 v8, $0x1  }
0x24: {  	v10 =	vld [tilespmem:s13+$0x0];
	v8 =	vadd.s32 v6, v8  }
0x25: {  	vm0 =	vge.s32 v9, v8;
	v9 =	vld [tilespmem:s13+$0x10]  }
0x26: {  	v14 =	vimm.s32 $0x0;
	v15 =	vsel vm0, $0x1, v3;
	vm0 =	vge.s32 v11, v8;
	v11 =	vld [tilespmem:s13+$0x20]  }
0x27: {  	s12 =	simm.s32 $0x0;
	v14 =	vadd.s32 v15, v14;
	v15 =	vsel vm0, $0x1, v3;
	vm0 =	vge.s32 v13, v8;
	v13 =	vld [tilespmem:s13+$0x30];
	s13 =	simm.s32 $0x440  }
.LBB2_4:
0x28: {  	v16 =	vld [tilespmem:s13+$0xFFFFFFC0];
	s12 =	sadd.s32 $0x8, s12;
	v14 =	vadd.s32 v15, v14;
	v15 =	vsel vm0, $0x1, v3;
	vm0 =	vge.s32 v12, v8  }
0x29: {  	v17 =	vld [tilespmem:s13+$0xFFFFFFD0];
	p0 =	slt.u32 s12, $0x78;
	v12 =	vadd.s32 v15, v14;
	v14 =	vsel vm0, $0x1, v3;
	vm0 =	vge.s32 v10, v8  }
0x2a: {  	v18 =	vld [tilespmem:s13+$0xFFFFFFE0];
	v10 =	vadd.s32 v14, v12;
	v14 =	vsel vm0, $0x1, v3;
	vm0 =	vge.s32 v9, v8  }
.Ltmp1:
0x2b: {  	v12 =	vld [tilespmem:s13+$0xFFFFFFF0];
	v9 =	vadd.s32 v14, v10;
	v14 =	vsel vm0, $0x1, v3;
	vm0 =	vge.s32 v11, v8;
	(pc) =	sbr.rel @p0 .LBB2_4-.Ltmp1, $4  }
0x2c: {  	v10 =	vld [tilespmem:s13+$0x0];
	v11 =	vadd.s32 v14, v9;
	v14 =	vsel vm0, $0x1, v3;
	vm0 =	vge.s32 v13, v8  }
0x2d: {  	vm1 =	vge.s32 v16, v8;
	v9 =	vld [tilespmem:s13+$0x10];
	v13 =	vadd.s32 v14, v11;
	v14 =	vsel vm0, $0x1, v3  }
0x2e: {  	s14 =	simm.s32 $0xF0;
	v15 =	vsel vm1, $0x1, v3;
	vm0 =	vge.s32 v17, v8;
	v11 =	vld [tilespmem:s13+$0x20];
	v13 =	vadd.s32 v14, v13  }
0x2f: {  	v14 =	vadd.s32 v15, v13;
	v15 =	vsel vm0, $0x1, v3;
	vm0 =	vge.s32 v18, v8;
	v13 =	vld [tilespmem:s13+$0x30];
	s13 =	sadd.s32 $0x400, s13  }
0x30: {  	v14 =	vadd.s32 v15, v14;
	v15 =	vsel vm0, $0x1, v3;
	vm0 =	vge.s32 v12, v8;
	v12 =	vld [tilespmem:s14+$0xFFFFFF90]  }
0x31: {  	v16 =	vld [tilespmem:s14+$0xFFFFFFA0];
	v14 =	vadd.s32 v15, v14;
	v15 =	vsel vm0, $0x1, v3;
	vm0 =	vge.s32 v10, v8  }
0x32: {  	v17 =	vld [tilespmem:s14+$0xFFFFFFB0];
	v10 =	vadd.s32 v15, v14;
	v14 =	vsel vm0, $0x1, v3;
	vm0 =	vge.s32 v9, v8  }
0x33: {  	v9 =	vadd.s32 v14, v10;
	v14 =	vsel vm0, $0x1, v3;
	vm0 =	vge.s32 v11, v8;
	v10 =	vld [tilespmem:s14+$0xFFFFFFC0]  }
0x34: {  	v11 =	vadd.s32 v14, v9;
	v14 =	vsel vm0, $0x1, v3;
	vm0 =	vge.s32 v13, v8;
	v9 =	vld [tilespmem:s14+$0xFFFFFFD0]  }
0x35: {  	v13 =	vadd.s32 v14, v11;
	v14 =	vsel vm0, $0x1, v3;
	vm0 =	vge.s32 v12, v8;
	v11 =	vld [tilespmem:s14+$0xFFFFFFE0]  }
0x36: {  	v12 =	vld [tilespmem:s14+$0xFFFFFFF0];
	v13 =	vadd.s32 v14, v13;
	v14 =	vsel vm0, $0x1, v3;
	vm0 =	vge.s32 v16, v8  }
0x37: {  	s12 =	simm.s32 $0x0;
	s13 =	simm.s32 $0x4F0;
	v14 =	vadd.s32 v14, v13;
	v15 =	vsel vm0, $0x1, v3;
	vm0 =	vge.s32 v17, v8;
	v13 =	vld [tilespmem:s14+$0x0]  }
.LBB2_6:
0x38: {  	v16 =	vld [tilespmem:s13+$0xFFFFFF90];
	s12 =	sadd.s32 $0x8, s12;
	v14 =	vadd.s32 v15, v14;
	v15 =	vsel vm0, $0x1, v3;
	vm0 =	vge.s32 v10, v8  }
0x39: {  	v17 =	vld [tilespmem:s13+$0xFFFFFFA0];
	p0 =	slt.u32 s12, $0x78;
	v10 =	vadd.s32 v15, v14;
	v14 =	vsel vm0, $0x1, v3;
	vm0 =	vge.s32 v9, v8  }
0x3a: {  	v18 =	vld [tilespmem:s13+$0xFFFFFFB0];
	v9 =	vadd.s32 v14, v10;
	v14 =	vsel vm0, $0x1, v3;
	vm0 =	vge.s32 v11, v8  }
.Ltmp2:
0x3b: {  	v10 =	vld [tilespmem:s13+$0xFFFFFFC0];
	v11 =	vadd.s32 v14, v9;
	v14 =	vsel vm0, $0x1, v3;
	vm0 =	vge.s32 v12, v8;
	(pc) =	sbr.rel @p0 .LBB2_6-.Ltmp2, $4  }
0x3c: {  	v9 =	vld [tilespmem:s13+$0xFFFFFFD0];
	v12 =	vadd.s32 v14, v11;
	v14 =	vsel vm0, $0x1, v3;
	vm0 =	vge.s32 v13, v8  }
0x3d: {  	vm1 =	vge.s32 v16, v8;
	v11 =	vld [tilespmem:s13+$0xFFFFFFE0];
	v13 =	vadd.s32 v14, v12;
	v14 =	vsel vm0, $0x1, v3  }
0x3e: {  	s14 =	simm.s32 $0x170;
	v15 =	vsel vm1, $0x1, v3;
	vm0 =	vge.s32 v17, v8;
	v12 =	vld [tilespmem:s13+$0xFFFFFFF0];
	v13 =	vadd.s32 v14, v13  }
0x3f: {  	v14 =	vadd.s32 v15, v13;
	v15 =	vsel vm0, $0x1, v3;
	vm0 =	vge.s32 v18, v8;
	v13 =	vld [tilespmem:s13+$0x0];
	s13 =	sadd.s32 $0x400, s13  }
0x40: {  	v14 =	vadd.s32 v15, v14;
	v15 =	vsel vm0, $0x1, v3;
	vm0 =	vge.s32 v10, v8;
	v16 =	vld [tilespmem:s14+$0xFFFFFF90]  }
0x41: {  	v10 =	vadd.s32 v15, v14;
	v14 =	vsel vm0, $0x1, v3;
	vm0 =	vge.s32 v9, v8;
	v15 =	vld [tilespmem:s14+$0xFFFFFFA0]  }
0x42: {  	v17 =	vld [tilespmem:s14+$0xFFFFFFB0];
	v9 =	vadd.s32 v14, v10;
	v10 =	vsel vm0, $0x1, v3;
	vm0 =	vge.s32 v11, v8  }
0x43: {  	v9 =	vadd.s32 v10, v9;
	v11 =	vsel vm0, $0x1, v3;
	vm0 =	vge.s32 v12, v8;
	v10 =	vld [tilespmem:s14+$0xFFFFFFC0]  }
0x44: {  	v11 =	vadd.s32 v11, v9;
	v12 =	vsel vm0, $0x1, v3;
	vm0 =	vge.s32 v13, v8;
	v9 =	vld [tilespmem:s14+$0xFFFFFFD0]  }
0x45: {  	v12 =	vadd.s32 v12, v11;
	v13 =	vsel vm0, $0x1, v3;
	vm0 =	vge.s32 v16, v8;
	v11 =	vld [tilespmem:s14+$0xFFFFFFE0]  }
0x46: {  	v13 =	vadd.s32 v13, v12;
	v14 =	vsel vm0, $0x1, v3;
	vm0 =	vge.s32 v15, v8;
	v12 =	vld [tilespmem:s14+$0xFFFFFFF0]  }
0x47: {  	s12 =	simm.s32 $0x0;
	s13 =	simm.s32 $0x570;
	v14 =	vadd.s32 v14, v13;
	v15 =	vsel vm0, $0x1, v3;
	vm0 =	vge.s32 v17, v8;
	v13 =	vld [tilespmem:s14+$0x0]  }
.LBB2_8:
0x48: {  	v16 =	vld [tilespmem:s13+$0xFFFFFF90];
	s12 =	sadd.s32 $0x8, s12;
	v14 =	vadd.s32 v15, v14;
	v15 =	vsel vm0, $0x1, v3;
	vm0 =	vge.s32 v10, v8  }
0x49: {  	v17 =	vld [tilespmem:s13+$0xFFFFFFA0];
	p0 =	slt.u32 s12, $0x78;
	v10 =	vadd.s32 v15, v14;
	v14 =	vsel vm0, $0x1, v3;
	vm0 =	vge.s32 v9, v8  }
0x4a: {  	v18 =	vld [tilespmem:s13+$0xFFFFFFB0];
	v9 =	vadd.s32 v14, v10;
	v14 =	vsel vm0, $0x1, v3;
	vm0 =	vge.s32 v11, v8  }
.Ltmp3:
0x4b: {  	v10 =	vld [tilespmem:s13+$0xFFFFFFC0];
	v11 =	vadd.s32 v14, v9;
	v14 =	vsel vm0, $0x1, v3;
	vm0 =	vge.s32 v12, v8;
	(pc) =	sbr.rel @p0 .LBB2_8-.Ltmp3, $4  }
0x4c: {  	v9 =	vld [tilespmem:s13+$0xFFFFFFD0];
	v12 =	vadd.s32 v14, v11;
	v14 =	vsel vm0, $0x1, v3;
	vm0 =	vge.s32 v13, v8  }
0x4d: {  	vm1 =	vge.s32 v16, v8;
	v11 =	vld [tilespmem:s13+$0xFFFFFFE0];
	v13 =	vadd.s32 v14, v12;
	v14 =	vsel vm0, $0x1, v3  }
0x4e: {  	s14 =	simm.s32 $0x1F0;
	v15 =	vsel vm1, $0x1, v3;
	vm0 =	vge.s32 v17, v8;
	v12 =	vld [tilespmem:s13+$0xFFFFFFF0];
	v13 =	vadd.s32 v14, v13  }
0x4f: {  	v14 =	vadd.s32 v15, v13;
	v15 =	vsel vm0, $0x1, v3;
	vm0 =	vge.s32 v18, v8;
	v13 =	vld [tilespmem:s13+$0x0];
	s13 =	sadd.s32 $0x400, s13  }
0x50: {  	v14 =	vadd.s32 v15, v14;
	v15 =	vsel vm0, $0x1, v3;
	vm0 =	vge.s32 v10, v8;
	v16 =	vld [tilespmem:s14+$0xFFFFFF90]  }
0x51: {  	v10 =	vadd.s32 v15, v14;
	v14 =	vsel vm0, $0x1, v3;
	vm0 =	vge.s32 v9, v8;
	v15 =	vld [tilespmem:s14+$0xFFFFFFA0]  }
0x52: {  	v17 =	vld [tilespmem:s14+$0xFFFFFFB0];
	v9 =	vadd.s32 v14, v10;
	v10 =	vsel vm0, $0x1, v3;
	vm0 =	vge.s32 v11, v8  }
0x53: {  	v9 =	vadd.s32 v10, v9;
	v11 =	vsel vm0, $0x1, v3;
	vm0 =	vge.s32 v12, v8;
	v10 =	vld [tilespmem:s14+$0xFFFFFFC0]  }
0x54: {  	v11 =	vadd.s32 v11, v9;
	v12 =	vsel vm0, $0x1, v3;
	vm0 =	vge.s32 v13, v8;
	v9 =	vld [tilespmem:s14+$0xFFFFFFD0]  }
0x55: {  	v12 =	vadd.s32 v12, v11;
	v13 =	vsel vm0, $0x1, v3;
	vm0 =	vge.s32 v16, v8;
	v11 =	vld [tilespmem:s14+$0xFFFFFFE0]  }
0x56: {  	v13 =	vadd.s32 v13, v12;
	v14 =	vsel vm0, $0x1, v3;
	vm0 =	vge.s32 v15, v8;
	v12 =	vld [tilespmem:s14+$0xFFFFFFF0]  }
0x57: {  	s12 =	simm.s32 $0x0;
	s13 =	simm.s32 $0x5F0;
	v14 =	vadd.s32 v14, v13;
	v15 =	vsel vm0, $0x1, v3;
	vm0 =	vge.s32 v17, v8;
	v13 =	vld [tilespmem:s14+$0x0]  }
.LBB2_10:
0x58: {  	v16 =	vld [tilespmem:s13+$0xFFFFFF90];
	s12 =	sadd.s32 $0x8, s12;
	v14 =	vadd.s32 v15, v14;
	v15 =	vsel vm0, $0x1, v3;
	vm0 =	vge.s32 v10, v8  }
0x59: {  	v17 =	vld [tilespmem:s13+$0xFFFFFFA0];
	p0 =	slt.u32 s12, $0x78;
	v10 =	vadd.s32 v15, v14;
	v14 =	vsel vm0, $0x1, v3;
	vm0 =	vge.s32 v9, v8  }
0x5a: {  	v18 =	vld [tilespmem:s13+$0xFFFFFFB0];
	v9 =	vadd.s32 v14, v10;
	v14 =	vsel vm0, $0x1, v3;
	vm0 =	vge.s32 v11, v8  }
.Ltmp4:
0x5b: {  	v10 =	vld [tilespmem:s13+$0xFFFFFFC0];
	v11 =	vadd.s32 v14, v9;
	v14 =	vsel vm0, $0x1, v3;
	vm0 =	vge.s32 v12, v8;
	(pc) =	sbr.rel @p0 .LBB2_10-.Ltmp4, $4  }
0x5c: {  	v9 =	vld [tilespmem:s13+$0xFFFFFFD0];
	v12 =	vadd.s32 v14, v11;
	v14 =	vsel vm0, $0x1, v3;
	vm0 =	vge.s32 v13, v8  }
0x5d: {  	vm1 =	vge.s32 v16, v8;
	v11 =	vld [tilespmem:s13+$0xFFFFFFE0];
	v13 =	vadd.s32 v14, v12;
	v14 =	vsel vm0, $0x1, v3  }
0x5e: {  	s14 =	simm.s32 $0x270;
	v15 =	vsel vm1, $0x1, v3;
	vm0 =	vge.s32 v17, v8;
	v12 =	vld [tilespmem:s13+$0xFFFFFFF0];
	v13 =	vadd.s32 v14, v13  }
0x5f: {  	v14 =	vadd.s32 v15, v13;
	v15 =	vsel vm0, $0x1, v3;
	vm0 =	vge.s32 v18, v8;
	v13 =	vld [tilespmem:s13+$0x0];
	s13 =	sadd.s32 $0x400, s13  }
0x60: {  	v14 =	vadd.s32 v15, v14;
	v15 =	vsel vm0, $0x1, v3;
	vm0 =	vge.s32 v10, v8;
	v16 =	vld [tilespmem:s14+$0xFFFFFF90]  }
0x61: {  	v10 =	vadd.s32 v15, v14;
	v14 =	vsel vm0, $0x1, v3;
	vm0 =	vge.s32 v9, v8;
	v15 =	vld [tilespmem:s14+$0xFFFFFFA0]  }
0x62: {  	v17 =	vld [tilespmem:s14+$0xFFFFFFB0];
	v9 =	vadd.s32 v14, v10;
	v10 =	vsel vm0, $0x1, v3;
	vm0 =	vge.s32 v11, v8  }
0x63: {  	v9 =	vadd.s32 v10, v9;
	v11 =	vsel vm0, $0x1, v3;
	vm0 =	vge.s32 v12, v8;
	v10 =	vld [tilespmem:s14+$0xFFFFFFC0]  }
0x64: {  	v11 =	vadd.s32 v11, v9;
	v12 =	vsel vm0, $0x1, v3;
	vm0 =	vge.s32 v13, v8;
	v9 =	vld [tilespmem:s14+$0xFFFFFFD0]  }
0x65: {  	v12 =	vadd.s32 v12, v11;
	v13 =	vsel vm0, $0x1, v3;
	vm0 =	vge.s32 v16, v8;
	v11 =	vld [tilespmem:s14+$0xFFFFFFE0]  }
0x66: {  	v13 =	vadd.s32 v13, v12;
	v14 =	vsel vm0, $0x1, v3;
	vm0 =	vge.s32 v15, v8;
	v12 =	vld [tilespmem:s14+$0xFFFFFFF0]  }
0x67: {  	s12 =	simm.s32 $0x0;
	s13 =	simm.s32 $0x670;
	v14 =	vadd.s32 v14, v13;
	v15 =	vsel vm0, $0x1, v3;
	vm0 =	vge.s32 v17, v8;
	v13 =	vld [tilespmem:s14+$0x0]  }
.LBB2_12:
0x68: {  	v16 =	vld [tilespmem:s13+$0xFFFFFF90];
	s12 =	sadd.s32 $0x8, s12;
	v14 =	vadd.s32 v15, v14;
	v15 =	vsel vm0, $0x1, v3;
	vm0 =	vge.s32 v10, v8  }
0x69: {  	v17 =	vld [tilespmem:s13+$0xFFFFFFA0];
	p0 =	slt.u32 s12, $0x78;
	v10 =	vadd.s32 v15, v14;
	v14 =	vsel vm0, $0x1, v3;
	vm0 =	vge.s32 v9, v8  }
0x6a: {  	v18 =	vld [tilespmem:s13+$0xFFFFFFB0];
	v9 =	vadd.s32 v14, v10;
	v14 =	vsel vm0, $0x1, v3;
	vm0 =	vge.s32 v11, v8  }
.Ltmp5:
0x6b: {  	v10 =	vld [tilespmem:s13+$0xFFFFFFC0];
	v11 =	vadd.s32 v14, v9;
	v14 =	vsel vm0, $0x1, v3;
	vm0 =	vge.s32 v12, v8;
	(pc) =	sbr.rel @p0 .LBB2_12-.Ltmp5, $4  }
0x6c: {  	v9 =	vld [tilespmem:s13+$0xFFFFFFD0];
	v12 =	vadd.s32 v14, v11;
	v14 =	vsel vm0, $0x1, v3;
	vm0 =	vge.s32 v13, v8  }
0x6d: {  	vm1 =	vge.s32 v16, v8;
	v11 =	vld [tilespmem:s13+$0xFFFFFFE0];
	v13 =	vadd.s32 v14, v12;
	v14 =	vsel vm0, $0x1, v3  }
0x6e: {  	s14 =	simm.s32 $0x2F0;
	v15 =	vsel vm1, $0x1, v3;
	vm0 =	vge.s32 v17, v8;
	v12 =	vld [tilespmem:s13+$0xFFFFFFF0];
	v13 =	vadd.s32 v14, v13  }
0x6f: {  	v14 =	vadd.s32 v15, v13;
	v15 =	vsel vm0, $0x1, v3;
	vm0 =	vge.s32 v18, v8;
	v13 =	vld [tilespmem:s13+$0x0];
	s13 =	sadd.s32 $0x400, s13  }
0x70: {  	v14 =	vadd.s32 v15, v14;
	v15 =	vsel vm0, $0x1, v3;
	vm0 =	vge.s32 v10, v8;
	v16 =	vld [tilespmem:s14+$0xFFFFFF90]  }
0x71: {  	v10 =	vadd.s32 v15, v14;
	v14 =	vsel vm0, $0x1, v3;
	vm0 =	vge.s32 v9, v8;
	v15 =	vld [tilespmem:s14+$0xFFFFFFA0]  }
0x72: {  	v17 =	vld [tilespmem:s14+$0xFFFFFFB0];
	v9 =	vadd.s32 v14, v10;
	v10 =	vsel vm0, $0x1, v3;
	vm0 =	vge.s32 v11, v8  }
0x73: {  	v9 =	vadd.s32 v10, v9;
	v11 =	vsel vm0, $0x1, v3;
	vm0 =	vge.s32 v12, v8;
	v10 =	vld [tilespmem:s14+$0xFFFFFFC0]  }
0x74: {  	v11 =	vadd.s32 v11, v9;
	v12 =	vsel vm0, $0x1, v3;
	vm0 =	vge.s32 v13, v8;
	v9 =	vld [tilespmem:s14+$0xFFFFFFD0]  }
0x75: {  	v12 =	vadd.s32 v12, v11;
	v13 =	vsel vm0, $0x1, v3;
	vm0 =	vge.s32 v16, v8;
	v11 =	vld [tilespmem:s14+$0xFFFFFFE0]  }
0x76: {  	v13 =	vadd.s32 v13, v12;
	v14 =	vsel vm0, $0x1, v3;
	vm0 =	vge.s32 v15, v8;
	v12 =	vld [tilespmem:s14+$0xFFFFFFF0]  }
0x77: {  	s12 =	simm.s32 $0x0;
	s13 =	simm.s32 $0x6F0;
	v14 =	vadd.s32 v14, v13;
	v15 =	vsel vm0, $0x1, v3;
	vm0 =	vge.s32 v17, v8;
	v13 =	vld [tilespmem:s14+$0x0]  }
.LBB2_14:
0x78: {  	v16 =	vld [tilespmem:s13+$0xFFFFFF90];
	s12 =	sadd.s32 $0x8, s12;
	v14 =	vadd.s32 v15, v14;
	v15 =	vsel vm0, $0x1, v3;
	vm0 =	vge.s32 v10, v8  }
0x79: {  	v17 =	vld [tilespmem:s13+$0xFFFFFFA0];
	p0 =	slt.u32 s12, $0x78;
	v10 =	vadd.s32 v15, v14;
	v14 =	vsel vm0, $0x1, v3;
	vm0 =	vge.s32 v9, v8  }
0x7a: {  	v18 =	vld [tilespmem:s13+$0xFFFFFFB0];
	v9 =	vadd.s32 v14, v10;
	v14 =	vsel vm0, $0x1, v3;
	vm0 =	vge.s32 v11, v8  }
.Ltmp6:
0x7b: {  	v10 =	vld [tilespmem:s13+$0xFFFFFFC0];
	v11 =	vadd.s32 v14, v9;
	v14 =	vsel vm0, $0x1, v3;
	vm0 =	vge.s32 v12, v8;
	(pc) =	sbr.rel @p0 .LBB2_14-.Ltmp6, $4  }
0x7c: {  	v9 =	vld [tilespmem:s13+$0xFFFFFFD0];
	v12 =	vadd.s32 v14, v11;
	v14 =	vsel vm0, $0x1, v3;
	vm0 =	vge.s32 v13, v8  }
0x7d: {  	vm1 =	vge.s32 v16, v8;
	v11 =	vld [tilespmem:s13+$0xFFFFFFE0];
	v13 =	vadd.s32 v14, v12;
	v14 =	vsel vm0, $0x1, v3  }
0x7e: {  	s14 =	simm.s32 $0x370;
	v15 =	vsel vm1, $0x1, v3;
	vm0 =	vge.s32 v17, v8;
	v12 =	vld [tilespmem:s13+$0xFFFFFFF0];
	v13 =	vadd.s32 v14, v13  }
0x7f: {  	v14 =	vadd.s32 v15, v13;
	v15 =	vsel vm0, $0x1, v3;
	vm0 =	vge.s32 v18, v8;
	v13 =	vld [tilespmem:s13+$0x0];
	s13 =	sadd.s32 $0x400, s13  }
0x80: {  	v14 =	vadd.s32 v15, v14;
	v15 =	vsel vm0, $0x1, v3;
	vm0 =	vge.s32 v10, v8;
	v16 =	vld [tilespmem:s14+$0xFFFFFF90]  }
0x81: {  	v10 =	vadd.s32 v15, v14;
	v14 =	vsel vm0, $0x1, v3;
	vm0 =	vge.s32 v9, v8;
	v15 =	vld [tilespmem:s14+$0xFFFFFFA0]  }
0x82: {  	v17 =	vld [tilespmem:s14+$0xFFFFFFB0];
	v9 =	vadd.s32 v14, v10;
	v10 =	vsel vm0, $0x1, v3;
	vm0 =	vge.s32 v11, v8  }
0x83: {  	v9 =	vadd.s32 v10, v9;
	v11 =	vsel vm0, $0x1, v3;
	vm0 =	vge.s32 v12, v8;
	v10 =	vld [tilespmem:s14+$0xFFFFFFC0]  }
0x84: {  	v11 =	vadd.s32 v11, v9;
	v12 =	vsel vm0, $0x1, v3;
	vm0 =	vge.s32 v13, v8;
	v9 =	vld [tilespmem:s14+$0xFFFFFFD0]  }
0x85: {  	v12 =	vadd.s32 v12, v11;
	v13 =	vsel vm0, $0x1, v3;
	vm0 =	vge.s32 v16, v8;
	v11 =	vld [tilespmem:s14+$0xFFFFFFE0]  }
0x86: {  	v13 =	vadd.s32 v13, v12;
	v14 =	vsel vm0, $0x1, v3;
	vm0 =	vge.s32 v15, v8;
	v12 =	vld [tilespmem:s14+$0xFFFFFFF0]  }
0x87: {  	s12 =	simm.s32 $0x0;
	s13 =	simm.s32 $0x770;
	v14 =	vadd.s32 v14, v13;
	v15 =	vsel vm0, $0x1, v3;
	vm0 =	vge.s32 v17, v8;
	v13 =	vld [tilespmem:s14+$0x0]  }
.LBB2_16:
0x88: {  	v16 =	vld [tilespmem:s13+$0xFFFFFF90];
	s12 =	sadd.s32 $0x8, s12;
	v14 =	vadd.s32 v15, v14;
	v15 =	vsel vm0, $0x1, v3;
	vm0 =	vge.s32 v10, v8  }
0x89: {  	v17 =	vld [tilespmem:s13+$0xFFFFFFA0];
	p0 =	slt.u32 s12, $0x78;
	v10 =	vadd.s32 v15, v14;
	v14 =	vsel vm0, $0x1, v3;
	vm0 =	vge.s32 v9, v8  }
0x8a: {  	v18 =	vld [tilespmem:s13+$0xFFFFFFB0];
	v9 =	vadd.s32 v14, v10;
	v14 =	vsel vm0, $0x1, v3;
	vm0 =	vge.s32 v11, v8  }
.Ltmp7:
0x8b: {  	v10 =	vld [tilespmem:s13+$0xFFFFFFC0];
	v11 =	vadd.s32 v14, v9;
	v14 =	vsel vm0, $0x1, v3;
	vm0 =	vge.s32 v12, v8;
	(pc) =	sbr.rel @p0 .LBB2_16-.Ltmp7, $4  }
0x8c: {  	v9 =	vld [tilespmem:s13+$0xFFFFFFD0];
	v12 =	vadd.s32 v14, v11;
	v14 =	vsel vm0, $0x1, v3;
	vm0 =	vge.s32 v13, v8  }
0x8d: {  	vm1 =	vge.s32 v16, v8;
	v11 =	vld [tilespmem:s13+$0xFFFFFFE0];
	v13 =	vadd.s32 v14, v12;
	v14 =	vsel vm0, $0x1, v3  }
0x8e: {  	s14 =	simm.s32 $0x3F0;
	v15 =	vsel vm1, $0x1, v3;
	vm0 =	vge.s32 v17, v8;
	v12 =	vld [tilespmem:s13+$0xFFFFFFF0];
	v13 =	vadd.s32 v14, v13  }
0x8f: {  	v14 =	vadd.s32 v15, v13;
	v15 =	vsel vm0, $0x1, v3;
	vm0 =	vge.s32 v18, v8;
	v13 =	vld [tilespmem:s13+$0x0];
	s13 =	sadd.s32 $0x400, s13  }
0x90: {  	v14 =	vadd.s32 v15, v14;
	v15 =	vsel vm0, $0x1, v3;
	vm0 =	vge.s32 v10, v8;
	v16 =	vld [tilespmem:s14+$0xFFFFFF90]  }
0x91: {  	v10 =	vadd.s32 v15, v14;
	v14 =	vsel vm0, $0x1, v3;
	vm0 =	vge.s32 v9, v8;
	v15 =	vld [tilespmem:s14+$0xFFFFFFA0]  }
0x92: {  	v17 =	vld [tilespmem:s14+$0xFFFFFFB0];
	v9 =	vadd.s32 v14, v10;
	v10 =	vsel vm0, $0x1, v3;
	vm0 =	vge.s32 v11, v8  }
0x93: {  	v10 =	vadd.s32 v10, v9;
	v11 =	vsel vm0, $0x1, v3;
	vm0 =	vge.s32 v12, v8;
	v9 =	vld [tilespmem:s14+$0xFFFFFFC0]  }
0x94: {  	v11 =	vadd.s32 v11, v10;
	v12 =	vsel vm0, $0x1, v3;
	vm0 =	vge.s32 v13, v8;
	v10 =	vld [tilespmem:s14+$0xFFFFFFD0]  }
0x95: {  	v12 =	vadd.s32 v12, v11;
	v13 =	vsel vm0, $0x1, v3;
	vm0 =	vge.s32 v16, v8;
	v11 =	vld [tilespmem:s14+$0xFFFFFFE0]  }
0x96: {  	v13 =	vadd.s32 v13, v12;
	v14 =	vsel vm0, $0x1, v3;
	vm0 =	vge.s32 v15, v8;
	v12 =	vld [tilespmem:s14+$0xFFFFFFF0]  }
0x97: {  	s12 =	simm.s32 $0x0;
	s13 =	simm.s32 $0x7F0;
	v14 =	vadd.s32 v14, v13;
	v15 =	vsel vm0, $0x1, v3;
	vm0 =	vge.s32 v17, v8;
	v13 =	vld [tilespmem:s14+$0x0]  }
.LBB2_18:
0x98: {  	v16 =	vld [tilespmem:s13+$0xFFFFFF90];
	s12 =	sadd.s32 $0x8, s12;
	v14 =	vadd.s32 v15, v14;
	v15 =	vsel vm0, $0x1, v3;
	vm0 =	vge.s32 v9, v8  }
0x99: {  	v17 =	vld [tilespmem:s13+$0xFFFFFFA0];
	p0 =	slt.u32 s12, $0x78;
	v9 =	vadd.s32 v15, v14;
	v14 =	vsel vm0, $0x1, v3;
	vm0 =	vge.s32 v10, v8  }
0x9a: {  	v18 =	vld [tilespmem:s13+$0xFFFFFFB0];
	v10 =	vadd.s32 v14, v9;
	v14 =	vsel vm0, $0x1, v3;
	vm0 =	vge.s32 v11, v8  }
.Ltmp8:
0x9b: {  	v9 =	vld [tilespmem:s13+$0xFFFFFFC0];
	v11 =	vadd.s32 v14, v10;
	v14 =	vsel vm0, $0x1, v3;
	vm0 =	vge.s32 v12, v8;
	(pc) =	sbr.rel @p0 .LBB2_18-.Ltmp8, $4  }
0x9c: {  	v10 =	vld [tilespmem:s13+$0xFFFFFFD0];
	v12 =	vadd.s32 v14, v11;
	v14 =	vsel vm0, $0x1, v3;
	vm0 =	vge.s32 v13, v8  }
0x9d: {  	vm1 =	vge.s32 v16, v8;
	v11 =	vld [tilespmem:s13+$0xFFFFFFE0];
	v13 =	vadd.s32 v14, v12;
	v14 =	vsel vm0, $0x1, v3  }
0x9e: {  	v15 =	vsel vm1, $0x1, v3;
	vm0 =	vge.s32 v17, v8;
	v12 =	vld [tilespmem:s13+$0xFFFFFFF0];
	v13 =	vadd.s32 v14, v13  }
0x9f: {  	v14 =	vadd.s32 v15, v13;
	v15 =	vsel vm0, $0x1, v3;
	vm0 =	vge.s32 v18, v8;
	v13 =	vld [tilespmem:s13+$0x0];
	s13 =	sadd.s32 $0x400, s13  }
0xa0: {  	v14 =	vadd.s32 v15, v14;
	v57 =	vsel vm0, $0x1, v3;
	vm10 =	vge.s32 v9, v8  }
0xa1: {  	v58 =	vadd.s32 v57, v14;
	v59 =	vsel vm10, $0x1, v3;
	vm11 =	vge.s32 v10, v8  }
0xa2: {  	v9 =	vadd.s32 v59, v58;
	v10 =	vsel vm11, $0x1, v3;
	vm12 =	vge.s32 v11, v8  }
0xa3: {  	v9 =	vadd.s32 v10, v9;
	v60 =	vsel vm12, $0x1, v3;
	vm13 =	vge.s32 v12, v8  }
0xa4: {  	v9 =	vadd.s32 v60, v9;
	v61 =	vsel vm13, $0x1, v3;
	vm14 =	vge.s32 v13, v8  }
0xa5: {  	v9 =	vadd.s32 v61, v9;
	v62 =	vsel vm14, $0x1, v3  }
0xa6: {  	v9 =	vadd.s32 v62, v9  }
0xa7: {  	v10 =	vperm.xlane v9, v0;
	_ =	sdelay $0x1  }
0xa8: {  	v9 =	vadd.s32 v9, v10  }
0xa9: {  	v10 =	vperm.xlane v9, v1;
	_ =	sdelay $0x1  }
0xaa: {  	v9 =	vadd.s32 v10, v9  }
0xab: {  	v10 =	vperm.xlane v9, v2  }
0xac: {  	s11 =	sadd.s32 $0x1, s11  }
0xad: {  	p0 =	sne.s32 s11, $0x1F;
	v9 =	vadd.s32 v10, v9  }
.Ltmp9:
0xae: {  	v10 =	vperm.xlane v9, v4;
	(pc) =	sbr.rel @p0 .LBB2_3-.Ltmp9, $4  }
0xaf: {  	_ = 	snop  }
0xb0: {  	v9 =	vadd.s32 v10, v9  }
0xb1: {  	v63 =	vadd.s32 $0xFFFFFFFF, v8;
	vm15 =	vlt.s32 v9, v5  }
0xb2: {  	v6 =	vsel vm15, v6, v8;
	v7 =	vsel vm15, v63, v7  }
0xb3: {  	s10 =	sadd.s32 $0x1, s10  }
0xb4: {  	p0 =	sne.s32 s10, s6  }
.Ltmp10:
0xb5: {  	[tilespmem:$0x4080] =	vst v6;
	(pc) =	sbr.rel @p0 .LBB2_2-.Ltmp10, $4  }
0xb6: {  	[hbm4b:s4+s2] =	stream.linear.scatter [tilespmem:s9], [sflag:$0x1], $0x80, $0x38;
	[tilespmem:$0x4100] =	vst v63  }
0xb7: {  	_ =	swait.ge [sflag:s7], $0x80  }
0xb8: {  	[sflag:s7] =	ssyncset.done $0x0  }
0xb9: {  	[sflag:s7] =	ssyncadd.s32 $0xFFFFFF80  }
.LBB2_21:
0xba: {  	_ =	sfence.sel $0x180000  }
0xbb: {  	[bflag:$0x0] =	sbarrier.arrive $0xFFFF  }
0xbc: {  	p0 =	sne.s32 s1, $0x0;
	_ =	strace $0x90000047  }
0xbd: {  	s0 =	sadd.s32 @!p0 $0x100000, s0;
	[bflag:$0x2] =	sbarrier.arrive $0xFFFF  }
0xbe: {  	[sflag:s0] =	ssyncadd.tile.s32 @!p0 $0x1;
	_ =	shalt  }
.Lfunc_end2:
_tile_overlayer_lowered:
.L_overlay_start_2:
0xbf: {  	(tag) =	ssettag $0x2  }
0xc0: {  	s0 =	rddreg [dreg:$0x0];
	s2 =	stileid.u32  }
0xc1: {  	s1 =	rddreg [dreg:$0x1];
	p0 =	sne.s32 s2, $0x0  }
0xc2: {  	s3 =	rddreg [dreg:$0x2];
	[bflag:$0x3] =	sbarrier.arrive $0xFFFF;
	s2 =	simm.s32 @!p0 $0x1C01  }
0xc3: {  	[timem:s3], [sflag:s2] =	dma.local @!p0 [hbm:s0], s1  }
0xc4: {  	s0 =	simm.s32 @!p0 $0x1  }
0xc5: {  	_ =	swait.ge @!p0 [sflag:s0], s1  }
0xc6: {  	s1 =	ssub.s32 @!p0 $0x0, s1;
	[sflag:s0] =	ssyncset.done @!p0 $0x0  }
0xc7: {  	[sflag:s0] =	ssyncadd.s32 @!p0 s1  }
0xc8: {  	[bflag:$0x3] =	sbarrier.arrive $0xFFFF  }
0xc9: {  	_ =	shalt  }

</sc_bundles>
